<compile_context>
chip_gen: v7x
topology: tpu7x:2x2x1
jax: 0.10.2.dev20260603
libtpu: 0.0.44.dev20260713+nightly
codegen_flags: <defaults>
</compile_context>

<pallas_src>
import functools

import jax
import jax.numpy as jnp
from jax import lax
from jax.experimental import pallas as pl
from jax.experimental.pallas import tpu as pltpu
from jax.experimental.pallas import tpu_sc as plsc

NC = 2
NS = 16
L = 16
G = 64


def _newton_rsqrt(d):
    i = lax.bitcast_convert_type(d, jnp.int32)
    i = jnp.int32(0x5F3759DF) - lax.shift_right_logical(i, 1)
    y = lax.bitcast_convert_type(i, jnp.float32)
    for _ in range(3):
        y = y * (1.5 - 0.5 * d * y * y)
    return y


def _sc_body(npad, etot, h, src_hbm, dst_hbm, batch_hbm, c_out, cnt_out,
             zbuf, onesb, dstb, srcb, dstc, degb, dinv640, batchb, dinvb,
             fidx, wval, sfi, sfv, cbi, cbv,
             sc_deg, sc_dinv, sc_c, sc_cnt, sem_a, sem_b, sem_z):
    c = lax.axis_index("c")
    s = lax.axis_index("s")
    wid = s * NC + c

    nslice = npad // NS
    ce_tile = etot // (NC * NS)
    cstripe = h * 128 // NS
    zlen = zbuf.shape[0]

    mid = s * NC + (1 - c)

    cp_dd = pltpu.async_copy(dst_hbm.at[pl.ds(mid * ce_tile, ce_tile)],
                             dstb, sem_a)
    cp_src = pltpu.async_copy(src_hbm.at[pl.ds(wid * ce_tile, ce_tile)],
                              srcb, sem_b)
    cp_dstc = pltpu.async_copy(dst_hbm.at[pl.ds(wid * ce_tile, ce_tile)],
                               dstc, sem_a)
    cp_batch = pltpu.async_copy(batch_hbm, batchb, sem_b)

    def col_split(j16, b16):
        m = j16 < h
        return (lax.shift_left(j16 - jnp.where(m, 0, h), 7)
                + jnp.where(m, 0, G) + b16)

    def zero_loop(i, _):
        zbuf[pl.ds(i * L, L)] = jnp.zeros((L,), jnp.float32)
        return 0

    lax.fori_loop(0, zlen // L, zero_loop, 0)

    def ones_loop(i, _):
        onesb[pl.ds(i * L, L)] = jnp.ones((L,), jnp.float32)
        return 0

    lax.fori_loop(0, ce_tile // L, ones_loop, 0)

    pltpu.sync_copy(zbuf.at[pl.ds(0, nslice)],
                    sc_deg.at[pl.ds(s * nslice, nslice)])

    @pl.when(jnp.logical_and(c == 0, s == 0))
    def _():
        pltpu.sync_copy(zbuf.at[pl.ds(0, G)], sc_cnt)

    zcp = []
    off = 0
    while off < cstripe:
        step = min(zlen, cstripe - off)
        zcp.append(pltpu.async_copy(
            zbuf.at[pl.ds(0, step)],
            sc_c.at[pl.ds(s * cstripe + off, step)], sem_z))
        off += step
    cp_dd.wait()
    cp_dstc.wait()
    plsc.subcore_barrier()

    d1 = pltpu.async_copy(onesb, sc_deg.at[dstb], sem_a, add=True)
    d2 = pltpu.async_copy(onesb, sc_deg.at[dstc], sem_a, add=True)
    cp_batch.wait()
    cp_src.wait()

    def idx_loop(j, _):
        for k in range(5):
            o = j * (5 * L) + k * L
            src16 = srcb[pl.ds(o, L)]
            dst16 = dstc[pl.ds(o, L)]
            b16 = plsc.load_gather(batchb, [dst16])
            fidx[pl.ds(o, L)] = col_split(src16, b16)
        return 0

    lax.fori_loop(0, ce_tile // (5 * L), idx_loop, 0)
    d1.wait()
    d2.wait()
    plsc.subcore_barrier()

    pltpu.sync_copy(sc_deg.at[pl.ds(s * nslice, nslice)], degb)

    def dinv_loop(i, _):
        d = degb[pl.ds(i * L, L)] + 1.0
        y = _newton_rsqrt(d)
        node = s * nslice + i * L + lax.iota(jnp.int32, L)
        y = jnp.where(node < N_REAL, y, 0.0)
        dinv640[pl.ds(i * L, L)] = y
        return 0

    lax.fori_loop(0, nslice // L, dinv_loop, 0)
    pltpu.sync_copy(dinv640, sc_dinv.at[pl.ds(s * nslice, nslice)])
    for cp in zcp:
        cp.wait()
    plsc.subcore_barrier()

    pltpu.sync_copy(sc_dinv, dinvb)

    def edge_loop(j, _):
        for k in range(5):
            o = j * (5 * L) + k * L
            src16 = srcb[pl.ds(o, L)]
            dst16 = dstc[pl.ds(o, L)]
            wd = plsc.load_gather(dinvb, [dst16])
            ws = plsc.load_gather(dinvb, [src16])
            wval[pl.ds(o, L)] = ws * wd
        return 0

    lax.fori_loop(0, ce_tile // (5 * L), edge_loop, 0)
    c_cp = pltpu.async_copy(wval, sc_c.at[fidx], sem_a, add=True)

    @pl.when(c == 0)
    def _():
        def self_loop(i, _):
            node = s * nslice + i * L + lax.iota(jnp.int32, L)
            b16 = batchb[pl.ds(s * nslice + i * L, L)]
            d16 = dinv640[pl.ds(i * L, L)]
            real = node < N_REAL
            sfi[pl.ds(i * L, L)] = jnp.where(real, col_split(node, b16), 0)
            sfv[pl.ds(i * L, L)] = d16 * d16
            cbi[pl.ds(i * L, L)] = b16
            cbv[pl.ds(i * L, L)] = jnp.where(real, 1.0, 0.0)
            return 0

        lax.fori_loop(0, nslice // L, self_loop, 0)
        pltpu.async_copy(sfv, sc_c.at[sfi], sem_z, add=True).wait()
        pltpu.async_copy(cbv, sc_cnt.at[cbi], sem_z, add=True).wait()

    c_cp.wait()
    plsc.subcore_barrier()

    pltpu.sync_copy(sc_c.at[pl.ds(s * cstripe, cstripe)],
                    c_out.at[pl.ds((c * NS + s) * cstripe, cstripe)])

    @pl.when(jnp.logical_and(c == 0, s == 0))
    def _():
        pltpu.sync_copy(sc_cnt, cnt_out)


N_REAL = 10000


def _tc_body(nblocks, xl_ref, xr_ref, c_ref, wg_ref, cnt_ref, bg_ref,
             wl_ref, bl_ref, out_ref, acc):
    i = pl.program_id(0)

    @pl.when(i == 0)
    def _():
        acc[...] = jnp.zeros_like(acc)

    S = c_ref[0] + c_ref[1]
    dn = (((0,), (0,)), ((), ()))
    acc[...] += (
        lax.dot_general(S[:, :G], xl_ref[...], dn,
                        preferred_element_type=jnp.float32)
        + lax.dot_general(S[:, G:], xr_ref[...], dn,
                          preferred_element_type=jnp.float32))

    @pl.when(i == nblocks - 1)
    def _():
        P = acc[...]
        g = jnp.dot(P, wg_ref[...], preferred_element_type=jnp.float32)
        g = g + cnt_ref[...] * bg_ref[...]
        o = jnp.dot(g, wl_ref[...], preferred_element_type=jnp.float32)
        out_ref[...] = o + bl_ref[...]


def kernel(x, edge_index, batch, W_gcn, b_gcn, W_lin, b_lin):
    n, d = x.shape
    e = edge_index.shape[1]
    assert n == N_REAL and e % (80 * NC * NS) == 0
    h = n // 2

    npad = ((n + NS * L * NC - 1) // (NS * L * NC)) * NS * L * NC

    src = edge_index[0].astype(jnp.int32)
    dst = edge_index[1].astype(jnp.int32)
    batchp = jnp.concatenate(
        [batch.astype(jnp.int32), jnp.zeros((npad - n,), jnp.int32)])

    mesh = plsc.VectorSubcoreMesh(core_axis_name="c", subcore_axis_name="s",
                                  num_cores=NC, num_subcores=NS)
    vm = pltpu.VMEM
    vs = pltpu.MemorySpace.VMEM_SHARED @ mesh
    sc = pl.kernel(
        functools.partial(_sc_body, npad, e, h),
        out_type=(
            jax.ShapeDtypeStruct((NC * h * 128,), jnp.float32),
            jax.ShapeDtypeStruct((G,), jnp.float32),
        ),
        mesh=mesh,
        compiler_params=pltpu.CompilerParams(needs_layout_passes=False,
                                             use_tc_tiling_on_sc=False),
        scratch_types=[
            vm((2048,), jnp.float32),
            vm((e // (NC * NS),), jnp.float32),
            vm((e // (NC * NS),), jnp.int32),
            vm((e // (NC * NS),), jnp.int32),
            vm((e // (NC * NS),), jnp.int32),
            vm((npad // NS,), jnp.float32),
            vm((npad // NS,), jnp.float32),
            vm((npad,), jnp.int32),
            vm((npad,), jnp.float32),
            vm((e // (NC * NS),), jnp.int32),
            vm((e // (NC * NS),), jnp.float32),
            vm((npad // NS,), jnp.int32),
            vm((npad // NS,), jnp.float32),
            vm((npad // NS,), jnp.int32),
            vm((npad // NS,), jnp.float32),
            vs((npad,), jnp.float32),
            vs((npad,), jnp.float32),
            vs((h * 128,), jnp.float32),
            vs((G,), jnp.float32),
            pltpu.SemaphoreType.DMA,
            pltpu.SemaphoreType.DMA,
            pltpu.SemaphoreType.DMA,
        ],
    )
    c_flat, counts = sc(src, dst, batchp)
    c_parts = c_flat.reshape(NC, h, 128)

    bn = 5000
    nblocks = h // bn
    out = pl.pallas_call(
        functools.partial(_tc_body, nblocks),
        grid=(nblocks,),
        in_specs=[
            pl.BlockSpec((bn, d), lambda i: (i, 0)),
            pl.BlockSpec((bn, d), lambda i: (i + nblocks, 0)),
            pl.BlockSpec((NC, bn, 128), lambda i: (0, i, 0)),
            pl.BlockSpec((d, d), lambda i: (0, 0)),
            pl.BlockSpec((G, 1), lambda i: (0, 0)),
            pl.BlockSpec((1, d), lambda i: (0, 0)),
            pl.BlockSpec((d, d), lambda i: (0, 0)),
            pl.BlockSpec((1, d), lambda i: (0, 0)),
        ],
        out_specs=pl.BlockSpec((G, d), lambda i: (0, 0)),
        out_shape=jax.ShapeDtypeStruct((G, d), jnp.float32),
        scratch_shapes=[pltpu.VMEM((G, d), jnp.float32)],
    )(x, x, c_parts, W_gcn, counts.reshape(G, 1), b_gcn.reshape(1, d),
      W_lin, b_lin.reshape(1, d))
    return out

# --- scband reference (transcript-rebuilt; emitter-appended) ---
"""Pipeline reference for scband-gnn-41059887350344 (READ-ONLY COPY).

The authoritative reference and input builder live on the scoring server;
editing this copy changes nothing except your own understanding.
"""

import jax, jax.numpy as jnp
import numpy as np

N_NODES = 10000
N_EDGES = 320000
D = 128
NUM_GRAPHS = 64

def setup_inputs(seed: int = 0) -> dict:
    key = jax.random.key(seed)
    k_x, k_ei, k_b, k_w1, k_b1, k_w2, k_b2 = jax.random.split(key, 7)
    x = jax.random.normal(k_x, (N_NODES, D), dtype=jnp.float32)
    edge_index = jax.random.randint(k_ei, (2, N_EDGES), 0, N_NODES, dtype=jnp.int64)
    batch = jnp.sort(jax.random.randint(k_b, (N_NODES,), 0, NUM_GRAPHS, dtype=jnp.int64))
    W_gcn = jax.random.normal(k_w1, (D, D), dtype=jnp.float32) * (1.0 / np.sqrt(D))
    b_gcn = jnp.zeros((D,), dtype=jnp.float32)
    W_lin = jax.random.normal(k_w2, (D, D), dtype=jnp.float32) * (1.0 / np.sqrt(D))
    b_lin = jnp.zeros((D,), dtype=jnp.float32)
    return {"x": x, "edge_index": edge_index, "batch": batch,
            "W_gcn": W_gcn, "b_gcn": b_gcn, "W_lin": W_lin, "b_lin": b_lin}

def reference(x, edge_index, batch, W_gcn, b_gcn, W_lin, b_lin):
    N = x.shape[0]
    src = edge_index[0]
    dst = edge_index[1]
    # GCNConv: add self loops, symmetric normalization
    loop = jnp.arange(N, dtype=src.dtype)
    src = jnp.concatenate([src, loop])
    dst = jnp.concatenate([dst, loop])
    h = x @ W_gcn
    deg = jax.ops.segment_sum(jnp.ones(dst.shape, dtype=h.dtype), dst, num_segments=N)
    dinv = jnp.where(deg > 0, 1.0 / jnp.sqrt(deg), 0.0)
    norm = dinv[src] * dinv[dst]
    msg = h[src] * norm[:, None]
    out = jax.ops.segment_sum(msg, dst, num_segments=N) + b_gcn
    # layer == 1 -> no ReLU between layers
    # global_add_pool over batch assignment
    g = jax.ops.segment_sum(out, batch, num_segments=NUM_GRAPHS)
    # dropout p=0.2 in eval mode -> identity
    return g @ W_lin + b_lin

if __name__ == "__main__":
    import jax
    _d = setup_inputs()
    print(jax.jit(kernel)(*tuple(_d.values())))

</pallas_src>

<mosaic_0001>
#map = affine_map<(d0, d1) -> (0)>
module attributes {stable_mosaic.version = 14 : i64} {
  func.func @_sc_body(%arg0: i32, %arg1: i32, %arg2: memref<320000xi32, #tpu.memory_space<hbm>>, %arg3: memref<320000xi32, #tpu.memory_space<hbm>>, %arg4: memref<10240xi32, #tpu.memory_space<hbm>>, %arg5: memref<1280000xf32, #tpu.memory_space<hbm>>, %arg6: memref<64xf32, #tpu.memory_space<hbm>>, %arg7: memref<2048xf32, #tpu.memory_space<vmem>>, %arg8: memref<10000xf32, #tpu.memory_space<vmem>>, %arg9: memref<10000xi32, #tpu.memory_space<vmem>>, %arg10: memref<10000xi32, #tpu.memory_space<vmem>>, %arg11: memref<10000xi32, #tpu.memory_space<vmem>>, %arg12: memref<640xf32, #tpu.memory_space<vmem>>, %arg13: memref<640xf32, #tpu.memory_space<vmem>>, %arg14: memref<10240xi32, #tpu.memory_space<vmem>>, %arg15: memref<10240xf32, #tpu.memory_space<vmem>>, %arg16: memref<10000xi32, #tpu.memory_space<vmem>>, %arg17: memref<10000xf32, #tpu.memory_space<vmem>>, %arg18: memref<640xi32, #tpu.memory_space<vmem>>, %arg19: memref<640xf32, #tpu.memory_space<vmem>>, %arg20: memref<640xi32, #tpu.memory_space<vmem>>, %arg21: memref<640xf32, #tpu.memory_space<vmem>>, %arg22: memref<10240xf32, #tpu.memory_space<vmem_shared>>, %arg23: memref<10240xf32, #tpu.memory_space<vmem_shared>>, %arg24: memref<640000xf32, #tpu.memory_space<vmem_shared>>, %arg25: memref<64xf32, #tpu.memory_space<vmem_shared>>, %arg26: memref<!tpu.dma_semaphore, #tpu.memory_space<semaphore_mem>>, %arg27: memref<!tpu.dma_semaphore, #tpu.memory_space<semaphore_mem>>, %arg28: memref<!tpu.dma_semaphore, #tpu.memory_space<semaphore_mem>>) attributes {dimension_semantics = [#tpu.dimension_semantics<core_parallel>, #tpu.dimension_semantics<subcore_parallel>], iteration_bounds = array<i64: 2, 16>, scalar_prefetch = 0 : i64, scratch_operands = 22 : i64, tpu.core_type = #tpu.core_type<sc_vector_subcore>, window_params = [{transform_indices = #map}, {transform_indices = #map}, {transform_indices = #map}, {transform_indices = #map}, {transform_indices = #map}]} {
    %mul3A = arith.constant 2 : i32
    %mul3A_0 = arith.muli %arg1, %mul3A : i32
    %add3A = arith.addi %mul3A_0, %arg0 : i32
    %mul3A_1 = arith.constant 2 : i32
    %mul3A_2 = arith.muli %arg1, %mul3A_1 : i32
    %sub3A = arith.constant 1 : i32
    %sub3A_3 = arith.subi %sub3A, %arg0 : i32
    %add3A_4 = arith.addi %mul3A_2, %sub3A_3 : i32
    %mul3A_5 = arith.constant 10000 : i32
    %mul3A_6 = arith.muli %add3A_4, %mul3A_5 : i32
    %dma_start3A = tpu.memref_slice %arg3[%mul3A_6] : memref<320000xi32, #tpu.memory_space<hbm>> -> memref<10000xi32, #tpu.memory_space<hbm>>
    %dma_start3A_7 = tpu.memref_slice %arg3[%mul3A_6] : memref<320000xi32, #tpu.memory_space<hbm>> -> memref<10000xi32, #tpu.memory_space<hbm>>
    tpu.enqueue_dma source(%dma_start3A_7 : memref<10000xi32, #tpu.memory_space<hbm>>) target(%arg9 : memref<10000xi32, #tpu.memory_space<vmem>>) target_semaphore(%arg26 : memref<!tpu.dma_semaphore, #tpu.memory_space<semaphore_mem>>)
    %mul3A_8 = arith.constant 10000 : i32
    %mul3A_9 = arith.muli %add3A, %mul3A_8 : i32
    %dma_start3A_10 = tpu.memref_slice %arg2[%mul3A_9] : memref<320000xi32, #tpu.memory_space<hbm>> -> memref<10000xi32, #tpu.memory_space<hbm>>
    %dma_start3A_11 = tpu.memref_slice %arg2[%mul3A_9] : memref<320000xi32, #tpu.memory_space<hbm>> -> memref<10000xi32, #tpu.memory_space<hbm>>
    tpu.enqueue_dma source(%dma_start3A_11 : memref<10000xi32, #tpu.memory_space<hbm>>) target(%arg10 : memref<10000xi32, #tpu.memory_space<vmem>>) target_semaphore(%arg27 : memref<!tpu.dma_semaphore, #tpu.memory_space<semaphore_mem>>)
    %mul3A_12 = arith.constant 10000 : i32
    %mul3A_13 = arith.muli %add3A, %mul3A_12 : i32
    %dma_start3A_14 = tpu.memref_slice %arg3[%mul3A_13] : memref<320000xi32, #tpu.memory_space<hbm>> -> memref<10000xi32, #tpu.memory_space<hbm>>
    %dma_start3A_15 = tpu.memref_slice %arg3[%mul3A_13] : memref<320000xi32, #tpu.memory_space<hbm>> -> memref<10000xi32, #tpu.memory_space<hbm>>
    tpu.enqueue_dma source(%dma_start3A_15 : memref<10000xi32, #tpu.memory_space<hbm>>) target(%arg11 : memref<10000xi32, #tpu.memory_space<vmem>>) target_semaphore(%arg26 : memref<!tpu.dma_semaphore, #tpu.memory_space<semaphore_mem>>)
    tpu.enqueue_dma source(%arg4 : memref<10240xi32, #tpu.memory_space<hbm>>) target(%arg14 : memref<10240xi32, #tpu.memory_space<vmem>>) target_semaphore(%arg27 : memref<!tpu.dma_semaphore, #tpu.memory_space<semaphore_mem>>)
    %scan3A = arith.constant 0 : i32
    %scan3A_16 = arith.constant 0 : i32
    %scan3A_17 = arith.constant 128 : i32
    %scan3A_18 = arith.addi %scan3A_16, %scan3A_17 : i32
    %scan3A_19 = arith.constant 1 : i32
    %scan3A_20 = scf.for %scan3A_420 = %scan3A_16 to %scan3A_18 step %scan3A_19 iter_args(%scan3A_421 = %scan3A) -> (i32)  : i32 {
      %broadcast_in_dim3A = arith.constant 0.000000e+00 : f32
      %broadcast_in_dim3A_422 = vector.broadcast %broadcast_in_dim3A : f32 to vector<16xf32>
      %mul3A_423 = arith.constant 16 : i32
      %mul3A_424 = arith.muli %scan3A_420, %mul3A_423 : i32
      %swap3A = arith.index_cast %mul3A_424 : i32 to index
      %swap3A_425 = tpu.vector_load %arg7[%swap3A] {strides = array<i32>} : memref<2048xf32, #tpu.memory_space<vmem>>, vector<16xf32>,
      tpu.vector_store %arg7[%swap3A], %broadcast_in_dim3A_422 {strides = array<i32>} : memref<2048xf32, #tpu.memory_space<vmem>>, vector<16xf32>,
      %scan3A_426 = arith.constant 0 : i32
      scf.yield %scan3A_426 : i32
    }
    %scan3A_21 = arith.constant 128 : i32
    %scan3A_22 = arith.constant 0 : i32
    %scan3A_23 = arith.constant 0 : i32
    %scan3A_24 = arith.constant 625 : i32
    %scan3A_25 = arith.addi %scan3A_23, %scan3A_24 : i32
    %scan3A_26 = arith.constant 1 : i32
    %scan3A_27 = scf.for %scan3A_420 = %scan3A_23 to %scan3A_25 step %scan3A_26 iter_args(%scan3A_421 = %scan3A_22) -> (i32)  : i32 {
      %broadcast_in_dim3A = arith.constant 1.000000e+00 : f32
      %broadcast_in_dim3A_422 = vector.broadcast %broadcast_in_dim3A : f32 to vector<16xf32>
      %mul3A_423 = arith.constant 16 : i32
      %mul3A_424 = arith.muli %scan3A_420, %mul3A_423 : i32
      %swap3A = arith.index_cast %mul3A_424 : i32 to index
      %swap3A_425 = tpu.vector_load %arg8[%swap3A] {strides = array<i32>} : memref<10000xf32, #tpu.memory_space<vmem>>, vector<16xf32>,
      tpu.vector_store %arg8[%swap3A], %broadcast_in_dim3A_422 {strides = array<i32>} : memref<10000xf32, #tpu.memory_space<vmem>>, vector<16xf32>,
      %scan3A_426 = arith.constant 0 : i32
      scf.yield %scan3A_426 : i32
    }
    %scan3A_28 = arith.constant 625 : i32
    %mul3A_29 = arith.constant 640 : i32
    %mul3A_30 = arith.muli %arg1, %mul3A_29 : i32
    "tpu.region"() ({
      %run_scoped3A = tpu.sem_alloc : memref<!tpu.dma_semaphore, #tpu.memory_space<semaphore_mem>>
      %dma_start3A_420 = arith.constant 0 : i32
      %dma_start3A_421 = tpu.memref_slice %arg7[%dma_start3A_420] : memref<2048xf32, #tpu.memory_space<vmem>> -> memref<640xf32, #tpu.memory_space<vmem>>
      %dma_start3A_422 = tpu.memref_slice %arg22[%mul3A_30] : memref<10240xf32, #tpu.memory_space<vmem_shared>> -> memref<640xf32, #tpu.memory_space<vmem_shared>>
      %dma_start3A_423 = tpu.memref_slice %arg22[%mul3A_30] : memref<10240xf32, #tpu.memory_space<vmem_shared>> -> memref<640xf32, #tpu.memory_space<vmem_shared>>
      %dma_start3A_424 = arith.constant 0 : i32
      %dma_start3A_425 = tpu.memref_slice %arg7[%dma_start3A_424] : memref<2048xf32, #tpu.memory_space<vmem>> -> memref<640xf32, #tpu.memory_space<vmem>>
      tpu.enqueue_dma source(%dma_start3A_425 : memref<640xf32, #tpu.memory_space<vmem>>) target(%dma_start3A_423 : memref<640xf32, #tpu.memory_space<vmem_shared>>) target_semaphore(%run_scoped3A : memref<!tpu.dma_semaphore, #tpu.memory_space<semaphore_mem>>)
      %dma_wait3A_426 = arith.constant 0 : i32
      %dma_wait3A_427 = tpu.memref_slice %arg7[%dma_wait3A_426] : memref<2048xf32, #tpu.memory_space<vmem>> -> memref<640xf32, #tpu.memory_space<vmem>>
      %dma_wait3A_428 = tpu.memref_slice %arg22[%mul3A_30] : memref<10240xf32, #tpu.memory_space<vmem_shared>> -> memref<640xf32, #tpu.memory_space<vmem_shared>>
      %dma_wait3A_429 = tpu.memref_slice %arg22[%mul3A_30] : memref<10240xf32, #tpu.memory_space<vmem_shared>> -> memref<640xf32, #tpu.memory_space<vmem_shared>>
      %dma_wait3A_430 = arith.constant 0 : i32
      %dma_wait3A_431 = tpu.memref_slice %arg7[%dma_wait3A_430] : memref<2048xf32, #tpu.memory_space<vmem>> -> memref<640xf32, #tpu.memory_space<vmem>>
      tpu.wait_dma2 semaphore(%run_scoped3A : memref<!tpu.dma_semaphore, #tpu.memory_space<semaphore_mem>>) src(%dma_wait3A_431 : memref<640xf32, #tpu.memory_space<vmem>>) dst(%dma_wait3A_429 : memref<640xf32, #tpu.memory_space<vmem_shared>>)
      tpu.yield
    }) : () -> ()
    %eq3A = arith.constant 0 : i32
    %eq3A_31 = arith.cmpi eq, %arg0, %eq3A : i32
    %eq3A_32 = arith.constant 0 : i32
    %eq3A_33 = arith.cmpi eq, %arg1, %eq3A_32 : i32
    %and3A = arith.andi %eq3A_31, %eq3A_33 : i1
    %convert_element_type3A = arith.extui %and3A : i1 to i32
    %cond3A = arith.constant 0 : i32
    %cond3A_34 = arith.cmpi ne, %convert_element_type3A, %cond3A : i32
    scf.if %cond3A_34 {
      "tpu.region"() ({
        %run_scoped3A = tpu.sem_alloc : memref<!tpu.dma_semaphore, #tpu.memory_space<semaphore_mem>>
        %dma_start3A_420 = arith.constant 0 : i32
        %dma_start3A_421 = tpu.memref_slice %arg7[%dma_start3A_420] : memref<2048xf32, #tpu.memory_space<vmem>> -> memref<64xf32, #tpu.memory_space<vmem>>
        %dma_start3A_422 = arith.constant 0 : i32
        %dma_start3A_423 = tpu.memref_slice %arg7[%dma_start3A_422] : memref<2048xf32, #tpu.memory_space<vmem>> -> memref<64xf32, #tpu.memory_space<vmem>>
        tpu.enqueue_dma source(%dma_start3A_423 : memref<64xf32, #tpu.memory_space<vmem>>) target(%arg25 : memref<64xf32, #tpu.memory_space<vmem_shared>>) target_semaphore(%run_scoped3A : memref<!tpu.dma_semaphore, #tpu.memory_space<semaphore_mem>>)
        %dma_wait3A_424 = arith.constant 0 : i32
        %dma_wait3A_425 = tpu.memref_slice %arg7[%dma_wait3A_424] : memref<2048xf32, #tpu.memory_space<vmem>> -> memref<64xf32, #tpu.memory_space<vmem>>
        %dma_wait3A_426 = arith.constant 0 : i32
        %dma_wait3A_427 = tpu.memref_slice %arg7[%dma_wait3A_426] : memref<2048xf32, #tpu.memory_space<vmem>> -> memref<64xf32, #tpu.memory_space<vmem>>
        tpu.wait_dma2 semaphore(%run_scoped3A : memref<!tpu.dma_semaphore, #tpu.memory_space<semaphore_mem>>) src(%dma_wait3A_427 : memref<64xf32, #tpu.memory_space<vmem>>) dst(%arg25 : memref<64xf32, #tpu.memory_space<vmem_shared>>)
        tpu.yield
      }) : () -> ()
    } else {
    }
    %mul3A_35 = arith.constant 40000 : i32
    %mul3A_36 = arith.muli %arg1, %mul3A_35 : i32
    %add3A_37 = arith.constant 0 : i32
    %add3A_38 = arith.addi %mul3A_36, %add3A_37 : i32
    %dma_start3A_39 = arith.constant 0 : i32
    %dma_start3A_40 = tpu.memref_slice %arg7[%dma_start3A_39] : memref<2048xf32, #tpu.memory_space<vmem>> -> memref<2048xf32, #tpu.memory_space<vmem>>
    %dma_start3A_41 = tpu.memref_slice %arg24[%add3A_38] : memref<640000xf32, #tpu.memory_space<vmem_shared>> -> memref<2048xf32, #tpu.memory_space<vmem_shared>>
    %dma_start3A_42 = tpu.memref_slice %arg24[%add3A_38] : memref<640000xf32, #tpu.memory_space<vmem_shared>> -> memref<2048xf32, #tpu.memory_space<vmem_shared>>
    %dma_start3A_43 = arith.constant 0 : i32
    %dma_start3A_44 = tpu.memref_slice %arg7[%dma_start3A_43] : memref<2048xf32, #tpu.memory_space<vmem>> -> memref<2048xf32, #tpu.memory_space<vmem>>
    tpu.enqueue_dma source(%dma_start3A_44 : memref<2048xf32, #tpu.memory_space<vmem>>) target(%dma_start3A_42 : memref<2048xf32, #tpu.memory_space<vmem_shared>>) target_semaphore(%arg28 : memref<!tpu.dma_semaphore, #tpu.memory_space<semaphore_mem>>)
    %mul3A_45 = arith.constant 40000 : i32
    %mul3A_46 = arith.muli %arg1, %mul3A_45 : i32
    %add3A_47 = arith.constant 2048 : i32
    %add3A_48 = arith.addi %mul3A_46, %add3A_47 : i32
    %dma_start3A_49 = arith.constant 0 : i32
    %dma_start3A_50 = tpu.memref_slice %arg7[%dma_start3A_49] : memref<2048xf32, #tpu.memory_space<vmem>> -> memref<2048xf32, #tpu.memory_space<vmem>>
    %dma_start3A_51 = tpu.memref_slice %arg24[%add3A_48] : memref<640000xf32, #tpu.memory_space<vmem_shared>> -> memref<2048xf32, #tpu.memory_space<vmem_shared>>
    %dma_start3A_52 = tpu.memref_slice %arg24[%add3A_48] : memref<640000xf32, #tpu.memory_space<vmem_shared>> -> memref<2048xf32, #tpu.memory_space<vmem_shared>>
    %dma_start3A_53 = arith.constant 0 : i32
    %dma_start3A_54 = tpu.memref_slice %arg7[%dma_start3A_53] : memref<2048xf32, #tpu.memory_space<vmem>> -> memref<2048xf32, #tpu.memory_space<vmem>>
    tpu.enqueue_dma source(%dma_start3A_54 : memref<2048xf32, #tpu.memory_space<vmem>>) target(%dma_start3A_52 : memref<2048xf32, #tpu.memory_space<vmem_shared>>) target_semaphore(%arg28 : memref<!tpu.dma_semaphore, #tpu.memory_space<semaphore_mem>>)
    %mul3A_55 = arith.constant 40000 : i32
    %mul3A_56 = arith.muli %arg1, %mul3A_55 : i32
    %add3A_57 = arith.constant 4096 : i32
    %add3A_58 = arith.addi %mul3A_56, %add3A_57 : i32
    %dma_start3A_59 = arith.constant 0 : i32
    %dma_start3A_60 = tpu.memref_slice %arg7[%dma_start3A_59] : memref<2048xf32, #tpu.memory_space<vmem>> -> memref<2048xf32, #tpu.memory_space<vmem>>
    %dma_start3A_61 = tpu.memref_slice %arg24[%add3A_58] : memref<640000xf32, #tpu.memory_space<vmem_shared>> -> memref<2048xf32, #tpu.memory_space<vmem_shared>>
    %dma_start3A_62 = tpu.memref_slice %arg24[%add3A_58] : memref<640000xf32, #tpu.memory_space<vmem_shared>> -> memref<2048xf32, #tpu.memory_space<vmem_shared>>
    %dma_start3A_63 = arith.constant 0 : i32
    %dma_start3A_64 = tpu.memref_slice %arg7[%dma_start3A_63] : memref<2048xf32, #tpu.memory_space<vmem>> -> memref<2048xf32, #tpu.memory_space<vmem>>
    tpu.enqueue_dma source(%dma_start3A_64 : memref<2048xf32, #tpu.memory_space<vmem>>) target(%dma_start3A_62 : memref<2048xf32, #tpu.memory_space<vmem_shared>>) target_semaphore(%arg28 : memref<!tpu.dma_semaphore, #tpu.memory_space<semaphore_mem>>)
    %mul3A_65 = arith.constant 40000 : i32
    %mul3A_66 = arith.muli %arg1, %mul3A_65 : i32
    %add3A_67 = arith.constant 6144 : i32
    %add3A_68 = arith.addi %mul3A_66, %add3A_67 : i32
    %dma_start3A_69 = arith.constant 0 : i32
    %dma_start3A_70 = tpu.memref_slice %arg7[%dma_start3A_69] : memref<2048xf32, #tpu.memory_space<vmem>> -> memref<2048xf32, #tpu.memory_space<vmem>>
    %dma_start3A_71 = tpu.memref_slice %arg24[%add3A_68] : memref<640000xf32, #tpu.memory_space<vmem_shared>> -> memref<2048xf32, #tpu.memory_space<vmem_shared>>
    %dma_start3A_72 = tpu.memref_slice %arg24[%add3A_68] : memref<640000xf32, #tpu.memory_space<vmem_shared>> -> memref<2048xf32, #tpu.memory_space<vmem_shared>>
    %dma_start3A_73 = arith.constant 0 : i32
    %dma_start3A_74 = tpu.memref_slice %arg7[%dma_start3A_73] : memref<2048xf32, #tpu.memory_space<vmem>> -> memref<2048xf32, #tpu.memory_space<vmem>>
    tpu.enqueue_dma source(%dma_start3A_74 : memref<2048xf32, #tpu.memory_space<vmem>>) target(%dma_start3A_72 : memref<2048xf32, #tpu.memory_space<vmem_shared>>) target_semaphore(%arg28 : memref<!tpu.dma_semaphore, #tpu.memory_space<semaphore_mem>>)
    %mul3A_75 = arith.constant 40000 : i32
    %mul3A_76 = arith.muli %arg1, %mul3A_75 : i32
    %add3A_77 = arith.constant 8192 : i32
    %add3A_78 = arith.addi %mul3A_76, %add3A_77 : i32
    %dma_start3A_79 = arith.constant 0 : i32
    %dma_start3A_80 = tpu.memref_slice %arg7[%dma_start3A_79] : memref<2048xf32, #tpu.memory_space<vmem>> -> memref<2048xf32, #tpu.memory_space<vmem>>
    %dma_start3A_81 = tpu.memref_slice %arg24[%add3A_78] : memref<640000xf32, #tpu.memory_space<vmem_shared>> -> memref<2048xf32, #tpu.memory_space<vmem_shared>>
    %dma_start3A_82 = tpu.memref_slice %arg24[%add3A_78] : memref<640000xf32, #tpu.memory_space<vmem_shared>> -> memref<2048xf32, #tpu.memory_space<vmem_shared>>
    %dma_start3A_83 = arith.constant 0 : i32
    %dma_start3A_84 = tpu.memref_slice %arg7[%dma_start3A_83] : memref<2048xf32, #tpu.memory_space<vmem>> -> memref<2048xf32, #tpu.memory_space<vmem>>
    tpu.enqueue_dma source(%dma_start3A_84 : memref<2048xf32, #tpu.memory_space<vmem>>) target(%dma_start3A_82 : memref<2048xf32, #tpu.memory_space<vmem_shared>>) target_semaphore(%arg28 : memref<!tpu.dma_semaphore, #tpu.memory_space<semaphore_mem>>)
    %mul3A_85 = arith.constant 40000 : i32
    %mul3A_86 = arith.muli %arg1, %mul3A_85 : i32
    %add3A_87 = arith.constant 10240 : i32
    %add3A_88 = arith.addi %mul3A_86, %add3A_87 : i32
    %dma_start3A_89 = arith.constant 0 : i32
    %dma_start3A_90 = tpu.memref_slice %arg7[%dma_start3A_89] : memref<2048xf32, #tpu.memory_space<vmem>> -> memref<2048xf32, #tpu.memory_space<vmem>>
    %dma_start3A_91 = tpu.memref_slice %arg24[%add3A_88] : memref<640000xf32, #tpu.memory_space<vmem_shared>> -> memref<2048xf32, #tpu.memory_space<vmem_shared>>
    %dma_start3A_92 = tpu.memref_slice %arg24[%add3A_88] : memref<640000xf32, #tpu.memory_space<vmem_shared>> -> memref<2048xf32, #tpu.memory_space<vmem_shared>>
    %dma_start3A_93 = arith.constant 0 : i32
    %dma_start3A_94 = tpu.memref_slice %arg7[%dma_start3A_93] : memref<2048xf32, #tpu.memory_space<vmem>> -> memref<2048xf32, #tpu.memory_space<vmem>>
    tpu.enqueue_dma source(%dma_start3A_94 : memref<2048xf32, #tpu.memory_space<vmem>>) target(%dma_start3A_92 : memref<2048xf32, #tpu.memory_space<vmem_shared>>) target_semaphore(%arg28 : memref<!tpu.dma_semaphore, #tpu.memory_space<semaphore_mem>>)
    %mul3A_95 = arith.constant 40000 : i32
    %mul3A_96 = arith.muli %arg1, %mul3A_95 : i32
    %add3A_97 = arith.constant 12288 : i32
    %add3A_98 = arith.addi %mul3A_96, %add3A_97 : i32
    %dma_start3A_99 = arith.constant 0 : i32
    %dma_start3A_100 = tpu.memref_slice %arg7[%dma_start3A_99] : memref<2048xf32, #tpu.memory_space<vmem>> -> memref<2048xf32, #tpu.memory_space<vmem>>
    %dma_start3A_101 = tpu.memref_slice %arg24[%add3A_98] : memref<640000xf32, #tpu.memory_space<vmem_shared>> -> memref<2048xf32, #tpu.memory_space<vmem_shared>>
    %dma_start3A_102 = tpu.memref_slice %arg24[%add3A_98] : memref<640000xf32, #tpu.memory_space<vmem_shared>> -> memref<2048xf32, #tpu.memory_space<vmem_shared>>
    %dma_start3A_103 = arith.constant 0 : i32
    %dma_start3A_104 = tpu.memref_slice %arg7[%dma_start3A_103] : memref<2048xf32, #tpu.memory_space<vmem>> -> memref<2048xf32, #tpu.memory_space<vmem>>
    tpu.enqueue_dma source(%dma_start3A_104 : memref<2048xf32, #tpu.memory_space<vmem>>) target(%dma_start3A_102 : memref<2048xf32, #tpu.memory_space<vmem_shared>>) target_semaphore(%arg28 : memref<!tpu.dma_semaphore, #tpu.memory_space<semaphore_mem>>)
    %mul3A_105 = arith.constant 40000 : i32
    %mul3A_106 = arith.muli %arg1, %mul3A_105 : i32
    %add3A_107 = arith.constant 14336 : i32
    %add3A_108 = arith.addi %mul3A_106, %add3A_107 : i32
    %dma_start3A_109 = arith.constant 0 : i32
    %dma_start3A_110 = tpu.memref_slice %arg7[%dma_start3A_109] : memref<2048xf32, #tpu.memory_space<vmem>> -> memref<2048xf32, #tpu.memory_space<vmem>>
    %dma_start3A_111 = tpu.memref_slice %arg24[%add3A_108] : memref<640000xf32, #tpu.memory_space<vmem_shared>> -> memref<2048xf32, #tpu.memory_space<vmem_shared>>
    %dma_start3A_112 = tpu.memref_slice %arg24[%add3A_108] : memref<640000xf32, #tpu.memory_space<vmem_shared>> -> memref<2048xf32, #tpu.memory_space<vmem_shared>>
    %dma_start3A_113 = arith.constant 0 : i32
    %dma_start3A_114 = tpu.memref_slice %arg7[%dma_start3A_113] : memref<2048xf32, #tpu.memory_space<vmem>> -> memref<2048xf32, #tpu.memory_space<vmem>>
    tpu.enqueue_dma source(%dma_start3A_114 : memref<2048xf32, #tpu.memory_space<vmem>>) target(%dma_start3A_112 : memref<2048xf32, #tpu.memory_space<vmem_shared>>) target_semaphore(%arg28 : memref<!tpu.dma_semaphore, #tpu.memory_space<semaphore_mem>>)
    %mul3A_115 = arith.constant 40000 : i32
    %mul3A_116 = arith.muli %arg1, %mul3A_115 : i32
    %add3A_117 = arith.constant 16384 : i32
    %add3A_118 = arith.addi %mul3A_116, %add3A_117 : i32
    %dma_start3A_119 = arith.constant 0 : i32
    %dma_start3A_120 = tpu.memref_slice %arg7[%dma_start3A_119] : memref<2048xf32, #tpu.memory_space<vmem>> -> memref<2048xf32, #tpu.memory_space<vmem>>
    %dma_start3A_121 = tpu.memref_slice %arg24[%add3A_118] : memref<640000xf32, #tpu.memory_space<vmem_shared>> -> memref<2048xf32, #tpu.memory_space<vmem_shared>>
    %dma_start3A_122 = tpu.memref_slice %arg24[%add3A_118] : memref<640000xf32, #tpu.memory_space<vmem_shared>> -> memref<2048xf32, #tpu.memory_space<vmem_shared>>
    %dma_start3A_123 = arith.constant 0 : i32
    %dma_start3A_124 = tpu.memref_slice %arg7[%dma_start3A_123] : memref<2048xf32, #tpu.memory_space<vmem>> -> memref<2048xf32, #tpu.memory_space<vmem>>
    tpu.enqueue_dma source(%dma_start3A_124 : memref<2048xf32, #tpu.memory_space<vmem>>) target(%dma_start3A_122 : memref<2048xf32, #tpu.memory_space<vmem_shared>>) target_semaphore(%arg28 : memref<!tpu.dma_semaphore, #tpu.memory_space<semaphore_mem>>)
    %mul3A_125 = arith.constant 40000 : i32
    %mul3A_126 = arith.muli %arg1, %mul3A_125 : i32
    %add3A_127 = arith.constant 18432 : i32
    %add3A_128 = arith.addi %mul3A_126, %add3A_127 : i32
    %dma_start3A_129 = arith.constant 0 : i32
    %dma_start3A_130 = tpu.memref_slice %arg7[%dma_start3A_129] : memref<2048xf32, #tpu.memory_space<vmem>> -> memref<2048xf32, #tpu.memory_space<vmem>>
    %dma_start3A_131 = tpu.memref_slice %arg24[%add3A_128] : memref<640000xf32, #tpu.memory_space<vmem_shared>> -> memref<2048xf32, #tpu.memory_space<vmem_shared>>
    %dma_start3A_132 = tpu.memref_slice %arg24[%add3A_128] : memref<640000xf32, #tpu.memory_space<vmem_shared>> -> memref<2048xf32, #tpu.memory_space<vmem_shared>>
    %dma_start3A_133 = arith.constant 0 : i32
    %dma_start3A_134 = tpu.memref_slice %arg7[%dma_start3A_133] : memref<2048xf32, #tpu.memory_space<vmem>> -> memref<2048xf32, #tpu.memory_space<vmem>>
    tpu.enqueue_dma source(%dma_start3A_134 : memref<2048xf32, #tpu.memory_space<vmem>>) target(%dma_start3A_132 : memref<2048xf32, #tpu.memory_space<vmem_shared>>) target_semaphore(%arg28 : memref<!tpu.dma_semaphore, #tpu.memory_space<semaphore_mem>>)
    %mul3A_135 = arith.constant 40000 : i32
    %mul3A_136 = arith.muli %arg1, %mul3A_135 : i32
    %add3A_137 = arith.constant 20480 : i32
    %add3A_138 = arith.addi %mul3A_136, %add3A_137 : i32
    %dma_start3A_139 = arith.constant 0 : i32
    %dma_start3A_140 = tpu.memref_slice %arg7[%dma_start3A_139] : memref<2048xf32, #tpu.memory_space<vmem>> -> memref<2048xf32, #tpu.memory_space<vmem>>
    %dma_start3A_141 = tpu.memref_slice %arg24[%add3A_138] : memref<640000xf32, #tpu.memory_space<vmem_shared>> -> memref<2048xf32, #tpu.memory_space<vmem_shared>>
    %dma_start3A_142 = tpu.memref_slice %arg24[%add3A_138] : memref<640000xf32, #tpu.memory_space<vmem_shared>> -> memref<2048xf32, #tpu.memory_space<vmem_shared>>
    %dma_start3A_143 = arith.constant 0 : i32
    %dma_start3A_144 = tpu.memref_slice %arg7[%dma_start3A_143] : memref<2048xf32, #tpu.memory_space<vmem>> -> memref<2048xf32, #tpu.memory_space<vmem>>
    tpu.enqueue_dma source(%dma_start3A_144 : memref<2048xf32, #tpu.memory_space<vmem>>) target(%dma_start3A_142 : memref<2048xf32, #tpu.memory_space<vmem_shared>>) target_semaphore(%arg28 : memref<!tpu.dma_semaphore, #tpu.memory_space<semaphore_mem>>)
    %mul3A_145 = arith.constant 40000 : i32
    %mul3A_146 = arith.muli %arg1, %mul3A_145 : i32
    %add3A_147 = arith.constant 22528 : i32
    %add3A_148 = arith.addi %mul3A_146, %add3A_147 : i32
    %dma_start3A_149 = arith.constant 0 : i32
    %dma_start3A_150 = tpu.memref_slice %arg7[%dma_start3A_149] : memref<2048xf32, #tpu.memory_space<vmem>> -> memref<2048xf32, #tpu.memory_space<vmem>>
    %dma_start3A_151 = tpu.memref_slice %arg24[%add3A_148] : memref<640000xf32, #tpu.memory_space<vmem_shared>> -> memref<2048xf32, #tpu.memory_space<vmem_shared>>
    %dma_start3A_152 = tpu.memref_slice %arg24[%add3A_148] : memref<640000xf32, #tpu.memory_space<vmem_shared>> -> memref<2048xf32, #tpu.memory_space<vmem_shared>>
    %dma_start3A_153 = arith.constant 0 : i32
    %dma_start3A_154 = tpu.memref_slice %arg7[%dma_start3A_153] : memref<2048xf32, #tpu.memory_space<vmem>> -> memref<2048xf32, #tpu.memory_space<vmem>>
    tpu.enqueue_dma source(%dma_start3A_154 : memref<2048xf32, #tpu.memory_space<vmem>>) target(%dma_start3A_152 : memref<2048xf32, #tpu.memory_space<vmem_shared>>) target_semaphore(%arg28 : memref<!tpu.dma_semaphore, #tpu.memory_space<semaphore_mem>>)
    %mul3A_155 = arith.constant 40000 : i32
    %mul3A_156 = arith.muli %arg1, %mul3A_155 : i32
    %add3A_157 = arith.constant 24576 : i32
    %add3A_158 = arith.addi %mul3A_156, %add3A_157 : i32
    %dma_start3A_159 = arith.constant 0 : i32
    %dma_start3A_160 = tpu.memref_slice %arg7[%dma_start3A_159] : memref<2048xf32, #tpu.memory_space<vmem>> -> memref<2048xf32, #tpu.memory_space<vmem>>
    %dma_start3A_161 = tpu.memref_slice %arg24[%add3A_158] : memref<640000xf32, #tpu.memory_space<vmem_shared>> -> memref<2048xf32, #tpu.memory_space<vmem_shared>>
    %dma_start3A_162 = tpu.memref_slice %arg24[%add3A_158] : memref<640000xf32, #tpu.memory_space<vmem_shared>> -> memref<2048xf32, #tpu.memory_space<vmem_shared>>
    %dma_start3A_163 = arith.constant 0 : i32
    %dma_start3A_164 = tpu.memref_slice %arg7[%dma_start3A_163] : memref<2048xf32, #tpu.memory_space<vmem>> -> memref<2048xf32, #tpu.memory_space<vmem>>
    tpu.enqueue_dma source(%dma_start3A_164 : memref<2048xf32, #tpu.memory_space<vmem>>) target(%dma_start3A_162 : memref<2048xf32, #tpu.memory_space<vmem_shared>>) target_semaphore(%arg28 : memref<!tpu.dma_semaphore, #tpu.memory_space<semaphore_mem>>)
    %mul3A_165 = arith.constant 40000 : i32
    %mul3A_166 = arith.muli %arg1, %mul3A_165 : i32
    %add3A_167 = arith.constant 26624 : i32
    %add3A_168 = arith.addi %mul3A_166, %add3A_167 : i32
    %dma_start3A_169 = arith.constant 0 : i32
    %dma_start3A_170 = tpu.memref_slice %arg7[%dma_start3A_169] : memref<2048xf32, #tpu.memory_space<vmem>> -> memref<2048xf32, #tpu.memory_space<vmem>>
    %dma_start3A_171 = tpu.memref_slice %arg24[%add3A_168] : memref<640000xf32, #tpu.memory_space<vmem_shared>> -> memref<2048xf32, #tpu.memory_space<vmem_shared>>
    %dma_start3A_172 = tpu.memref_slice %arg24[%add3A_168] : memref<640000xf32, #tpu.memory_space<vmem_shared>> -> memref<2048xf32, #tpu.memory_space<vmem_shared>>
    %dma_start3A_173 = arith.constant 0 : i32
    %dma_start3A_174 = tpu.memref_slice %arg7[%dma_start3A_173] : memref<2048xf32, #tpu.memory_space<vmem>> -> memref<2048xf32, #tpu.memory_space<vmem>>
    tpu.enqueue_dma source(%dma_start3A_174 : memref<2048xf32, #tpu.memory_space<vmem>>) target(%dma_start3A_172 : memref<2048xf32, #tpu.memory_space<vmem_shared>>) target_semaphore(%arg28 : memref<!tpu.dma_semaphore, #tpu.memory_space<semaphore_mem>>)
    %mul3A_175 = arith.constant 40000 : i32
    %mul3A_176 = arith.muli %arg1, %mul3A_175 : i32
    %add3A_177 = arith.constant 28672 : i32
    %add3A_178 = arith.addi %mul3A_176, %add3A_177 : i32
    %dma_start3A_179 = arith.constant 0 : i32
    %dma_start3A_180 = tpu.memref_slice %arg7[%dma_start3A_179] : memref<2048xf32, #tpu.memory_space<vmem>> -> memref<2048xf32, #tpu.memory_space<vmem>>
    %dma_start3A_181 = tpu.memref_slice %arg24[%add3A_178] : memref<640000xf32, #tpu.memory_space<vmem_shared>> -> memref<2048xf32, #tpu.memory_space<vmem_shared>>
    %dma_start3A_182 = tpu.memref_slice %arg24[%add3A_178] : memref<640000xf32, #tpu.memory_space<vmem_shared>> -> memref<2048xf32, #tpu.memory_space<vmem_shared>>
    %dma_start3A_183 = arith.constant 0 : i32
    %dma_start3A_184 = tpu.memref_slice %arg7[%dma_start3A_183] : memref<2048xf32, #tpu.memory_space<vmem>> -> memref<2048xf32, #tpu.memory_space<vmem>>
    tpu.enqueue_dma source(%dma_start3A_184 : memref<2048xf32, #tpu.memory_space<vmem>>) target(%dma_start3A_182 : memref<2048xf32, #tpu.memory_space<vmem_shared>>) target_semaphore(%arg28 : memref<!tpu.dma_semaphore, #tpu.memory_space<semaphore_mem>>)
    %mul3A_185 = arith.constant 40000 : i32
    %mul3A_186 = arith.muli %arg1, %mul3A_185 : i32
    %add3A_187 = arith.constant 30720 : i32
    %add3A_188 = arith.addi %mul3A_186, %add3A_187 : i32
    %dma_start3A_189 = arith.constant 0 : i32
    %dma_start3A_190 = tpu.memref_slice %arg7[%dma_start3A_189] : memref<2048xf32, #tpu.memory_space<vmem>> -> memref<2048xf32, #tpu.memory_space<vmem>>
    %dma_start3A_191 = tpu.memref_slice %arg24[%add3A_188] : memref<640000xf32, #tpu.memory_space<vmem_shared>> -> memref<2048xf32, #tpu.memory_space<vmem_shared>>
    %dma_start3A_192 = tpu.memref_slice %arg24[%add3A_188] : memref<640000xf32, #tpu.memory_space<vmem_shared>> -> memref<2048xf32, #tpu.memory_space<vmem_shared>>
    %dma_start3A_193 = arith.constant 0 : i32
    %dma_start3A_194 = tpu.memref_slice %arg7[%dma_start3A_193] : memref<2048xf32, #tpu.memory_space<vmem>> -> memref<2048xf32, #tpu.memory_space<vmem>>
    tpu.enqueue_dma source(%dma_start3A_194 : memref<2048xf32, #tpu.memory_space<vmem>>) target(%dma_start3A_192 : memref<2048xf32, #tpu.memory_space<vmem_shared>>) target_semaphore(%arg28 : memref<!tpu.dma_semaphore, #tpu.memory_space<semaphore_mem>>)
    %mul3A_195 = arith.constant 40000 : i32
    %mul3A_196 = arith.muli %arg1, %mul3A_195 : i32
    %add3A_197 = arith.constant 32768 : i32
    %add3A_198 = arith.addi %mul3A_196, %add3A_197 : i32
    %dma_start3A_199 = arith.constant 0 : i32
    %dma_start3A_200 = tpu.memref_slice %arg7[%dma_start3A_199] : memref<2048xf32, #tpu.memory_space<vmem>> -> memref<2048xf32, #tpu.memory_space<vmem>>
    %dma_start3A_201 = tpu.memref_slice %arg24[%add3A_198] : memref<640000xf32, #tpu.memory_space<vmem_shared>> -> memref<2048xf32, #tpu.memory_space<vmem_shared>>
    %dma_start3A_202 = tpu.memref_slice %arg24[%add3A_198] : memref<640000xf32, #tpu.memory_space<vmem_shared>> -> memref<2048xf32, #tpu.memory_space<vmem_shared>>
    %dma_start3A_203 = arith.constant 0 : i32
    %dma_start3A_204 = tpu.memref_slice %arg7[%dma_start3A_203] : memref<2048xf32, #tpu.memory_space<vmem>> -> memref<2048xf32, #tpu.memory_space<vmem>>
    tpu.enqueue_dma source(%dma_start3A_204 : memref<2048xf32, #tpu.memory_space<vmem>>) target(%dma_start3A_202 : memref<2048xf32, #tpu.memory_space<vmem_shared>>) target_semaphore(%arg28 : memref<!tpu.dma_semaphore, #tpu.memory_space<semaphore_mem>>)
    %mul3A_205 = arith.constant 40000 : i32
    %mul3A_206 = arith.muli %arg1, %mul3A_205 : i32
    %add3A_207 = arith.constant 34816 : i32
    %add3A_208 = arith.addi %mul3A_206, %add3A_207 : i32
    %dma_start3A_209 = arith.constant 0 : i32
    %dma_start3A_210 = tpu.memref_slice %arg7[%dma_start3A_209] : memref<2048xf32, #tpu.memory_space<vmem>> -> memref<2048xf32, #tpu.memory_space<vmem>>
    %dma_start3A_211 = tpu.memref_slice %arg24[%add3A_208] : memref<640000xf32, #tpu.memory_space<vmem_shared>> -> memref<2048xf32, #tpu.memory_space<vmem_shared>>
    %dma_start3A_212 = tpu.memref_slice %arg24[%add3A_208] : memref<640000xf32, #tpu.memory_space<vmem_shared>> -> memref<2048xf32, #tpu.memory_space<vmem_shared>>
    %dma_start3A_213 = arith.constant 0 : i32
    %dma_start3A_214 = tpu.memref_slice %arg7[%dma_start3A_213] : memref<2048xf32, #tpu.memory_space<vmem>> -> memref<2048xf32, #tpu.memory_space<vmem>>
    tpu.enqueue_dma source(%dma_start3A_214 : memref<2048xf32, #tpu.memory_space<vmem>>) target(%dma_start3A_212 : memref<2048xf32, #tpu.memory_space<vmem_shared>>) target_semaphore(%arg28 : memref<!tpu.dma_semaphore, #tpu.memory_space<semaphore_mem>>)
    %mul3A_215 = arith.constant 40000 : i32
    %mul3A_216 = arith.muli %arg1, %mul3A_215 : i32
    %add3A_217 = arith.constant 36864 : i32
    %add3A_218 = arith.addi %mul3A_216, %add3A_217 : i32
    %dma_start3A_219 = arith.constant 0 : i32
    %dma_start3A_220 = tpu.memref_slice %arg7[%dma_start3A_219] : memref<2048xf32, #tpu.memory_space<vmem>> -> memref<2048xf32, #tpu.memory_space<vmem>>
    %dma_start3A_221 = tpu.memref_slice %arg24[%add3A_218] : memref<640000xf32, #tpu.memory_space<vmem_shared>> -> memref<2048xf32, #tpu.memory_space<vmem_shared>>
    %dma_start3A_222 = tpu.memref_slice %arg24[%add3A_218] : memref<640000xf32, #tpu.memory_space<vmem_shared>> -> memref<2048xf32, #tpu.memory_space<vmem_shared>>
    %dma_start3A_223 = arith.constant 0 : i32
    %dma_start3A_224 = tpu.memref_slice %arg7[%dma_start3A_223] : memref<2048xf32, #tpu.memory_space<vmem>> -> memref<2048xf32, #tpu.memory_space<vmem>>
    tpu.enqueue_dma source(%dma_start3A_224 : memref<2048xf32, #tpu.memory_space<vmem>>) target(%dma_start3A_222 : memref<2048xf32, #tpu.memory_space<vmem_shared>>) target_semaphore(%arg28 : memref<!tpu.dma_semaphore, #tpu.memory_space<semaphore_mem>>)
    %mul3A_225 = arith.constant 40000 : i32
    %mul3A_226 = arith.muli %arg1, %mul3A_225 : i32
    %add3A_227 = arith.constant 38912 : i32
    %add3A_228 = arith.addi %mul3A_226, %add3A_227 : i32
    %dma_start3A_229 = arith.constant 0 : i32
    %dma_start3A_230 = tpu.memref_slice %arg7[%dma_start3A_229] : memref<2048xf32, #tpu.memory_space<vmem>> -> memref<1088xf32, #tpu.memory_space<vmem>>
    %dma_start3A_231 = tpu.memref_slice %arg24[%add3A_228] : memref<640000xf32, #tpu.memory_space<vmem_shared>> -> memref<1088xf32, #tpu.memory_space<vmem_shared>>
    %dma_start3A_232 = tpu.memref_slice %arg24[%add3A_228] : memref<640000xf32, #tpu.memory_space<vmem_shared>> -> memref<1088xf32, #tpu.memory_space<vmem_shared>>
    %dma_start3A_233 = arith.constant 0 : i32
    %dma_start3A_234 = tpu.memref_slice %arg7[%dma_start3A_233] : memref<2048xf32, #tpu.memory_space<vmem>> -> memref<1088xf32, #tpu.memory_space<vmem>>
    tpu.enqueue_dma source(%dma_start3A_234 : memref<1088xf32, #tpu.memory_space<vmem>>) target(%dma_start3A_232 : memref<1088xf32, #tpu.memory_space<vmem_shared>>) target_semaphore(%arg28 : memref<!tpu.dma_semaphore, #tpu.memory_space<semaphore_mem>>)
    %dma_wait3A = tpu.memref_slice %arg3[%mul3A_6] : memref<320000xi32, #tpu.memory_space<hbm>> -> memref<10000xi32, #tpu.memory_space<hbm>>
    %dma_wait3A_235 = tpu.memref_slice %arg3[%mul3A_6] : memref<320000xi32, #tpu.memory_space<hbm>> -> memref<10000xi32, #tpu.memory_space<hbm>>
    tpu.wait_dma2 semaphore(%arg26 : memref<!tpu.dma_semaphore, #tpu.memory_space<semaphore_mem>>) src(%dma_wait3A_235 : memref<10000xi32, #tpu.memory_space<hbm>>) dst(%arg9 : memref<10000xi32, #tpu.memory_space<vmem>>)
    %dma_wait3A_236 = tpu.memref_slice %arg3[%mul3A_13] : memref<320000xi32, #tpu.memory_space<hbm>> -> memref<10000xi32, #tpu.memory_space<hbm>>
    %dma_wait3A_237 = tpu.memref_slice %arg3[%mul3A_13] : memref<320000xi32, #tpu.memory_space<hbm>> -> memref<10000xi32, #tpu.memory_space<hbm>>
    tpu.wait_dma2 semaphore(%arg26 : memref<!tpu.dma_semaphore, #tpu.memory_space<semaphore_mem>>) src(%dma_wait3A_237 : memref<10000xi32, #tpu.memory_space<hbm>>) dst(%arg11 : memref<10000xi32, #tpu.memory_space<vmem>>)
    %barrier3A = arith.constant 0 : index
    tpu.barrier barrier_id(%barrier3A)
    %dma_start3A_238 = arith.constant 0 : i32
    %dma_start3A_239 = tpu.memref_slice %arg22[%dma_start3A_238] : memref<10240xf32, #tpu.memory_space<vmem_shared>> -> memref<10240xf32, #tpu.memory_space<vmem_shared>>
    tpu.enqueue_indirect_dma source(%arg8 : memref<10000xf32, #tpu.memory_space<vmem>>) target(%dma_start3A_239 : memref<10240xf32, #tpu.memory_space<vmem_shared>>) offsets(%arg9 : memref<10000xi32, #tpu.memory_space<vmem>>) semaphore(%arg26 : memref<!tpu.dma_semaphore, #tpu.memory_space<semaphore_mem>>) {add = true}
    %dma_start3A_240 = arith.constant 0 : i32
    %dma_start3A_241 = tpu.memref_slice %arg22[%dma_start3A_240] : memref<10240xf32, #tpu.memory_space<vmem_shared>> -> memref<10240xf32, #tpu.memory_space<vmem_shared>>
    tpu.enqueue_indirect_dma source(%arg8 : memref<10000xf32, #tpu.memory_space<vmem>>) target(%dma_start3A_241 : memref<10240xf32, #tpu.memory_space<vmem_shared>>) offsets(%arg11 : memref<10000xi32, #tpu.memory_space<vmem>>) semaphore(%arg26 : memref<!tpu.dma_semaphore, #tpu.memory_space<semaphore_mem>>) {add = true}
    tpu.wait_dma2 semaphore(%arg27 : memref<!tpu.dma_semaphore, #tpu.memory_space<semaphore_mem>>) src(%arg4 : memref<10240xi32, #tpu.memory_space<hbm>>) dst(%arg14 : memref<10240xi32, #tpu.memory_space<vmem>>)
    %dma_wait3A_242 = tpu.memref_slice %arg2[%mul3A_9] : memref<320000xi32, #tpu.memory_space<hbm>> -> memref<10000xi32, #tpu.memory_space<hbm>>
    %dma_wait3A_243 = tpu.memref_slice %arg2[%mul3A_9] : memref<320000xi32, #tpu.memory_space<hbm>> -> memref<10000xi32, #tpu.memory_space<hbm>>
    tpu.wait_dma2 semaphore(%arg27 : memref<!tpu.dma_semaphore, #tpu.memory_space<semaphore_mem>>) src(%dma_wait3A_243 : memref<10000xi32, #tpu.memory_space<hbm>>) dst(%arg10 : memref<10000xi32, #tpu.memory_space<vmem>>)
    %scan3A_244 = arith.constant 0 : i32
    %scan3A_245 = arith.constant 0 : i32
    %scan3A_246 = arith.constant 125 : i32
    %scan3A_247 = arith.addi %scan3A_245, %scan3A_246 : i32
    %scan3A_248 = arith.constant 1 : i32
    %scan3A_249 = scf.for %scan3A_420 = %scan3A_245 to %scan3A_247 step %scan3A_248 iter_args(%scan3A_421 = %scan3A_244) -> (i32)  : i32 {
      %mul3A_422 = arith.constant 80 : i32
      %mul3A_423 = arith.muli %scan3A_420, %mul3A_422 : i32
      %add3A_424 = arith.constant 0 : i32
      %add3A_425 = arith.addi %mul3A_423, %add3A_424 : i32
      %get3A = arith.index_cast %add3A_425 : i32 to index
      %get3A_426 = tpu.vector_load %arg10[%get3A] {strides = array<i32>} : memref<10000xi32, #tpu.memory_space<vmem>>, vector<16xi32>,
      %get3A_427 = arith.index_cast %add3A_425 : i32 to index
      %get3A_428 = tpu.vector_load %arg11[%get3A_427] {strides = array<i32>} : memref<10000xi32, #tpu.memory_space<vmem>>, vector<16xi32>,
      %gather3A = tpu.vector_load_idx %arg14[%get3A_428] : memref<10240xi32, #tpu.memory_space<vmem>>[vector<16xi32>], vector<16xi32>,
      %lt3A = arith.constant 5000 : i32
      %lt3A_429 = vector.broadcast %lt3A : i32 to vector<16xi32>
      %lt3A_430 = arith.cmpi slt, %get3A_426, %lt3A_429 : vector<16xi32>
      %jit3A = arith.constant 0 : i32
      %jit3A_431 = arith.constant 5000 : i32
      %broadcast_in_dim3A = vector.broadcast %jit3A : i32 to vector<16xi32>
      %broadcast_in_dim3A_432 = vector.broadcast %jit3A_431 : i32 to vector<16xi32>
      %select_n3A = arith.select %lt3A_430, %broadcast_in_dim3A, %broadcast_in_dim3A_432 : vector<16xi1>, vector<16xi32>
      %sub3A_433 = arith.subi %get3A_426, %select_n3A : vector<16xi32>
      %shift_left3A = arith.constant 7 : i32
      %shift_left3A_434 = vector.broadcast %shift_left3A : i32 to vector<16xi32>
      %shift_left3A_435 = arith.shli %sub3A_433, %shift_left3A_434 : vector<16xi32>
      %jit3A_436 = arith.constant 0 : i32
      %jit3A_437 = arith.constant 64 : i32
      %broadcast_in_dim3A_438 = vector.broadcast %jit3A_436 : i32 to vector<16xi32>
      %broadcast_in_dim3A_439 = vector.broadcast %jit3A_437 : i32 to vector<16xi32>
      %select_n3A_440 = arith.select %lt3A_430, %broadcast_in_dim3A_438, %broadcast_in_dim3A_439 : vector<16xi1>, vector<16xi32>
      %add3A_441 = arith.addi %shift_left3A_435, %select_n3A_440 : vector<16xi32>
      %add3A_442 = arith.addi %add3A_441, %gather3A : vector<16xi32>
      %swap3A = arith.index_cast %add3A_425 : i32 to index
      %swap3A_443 = tpu.vector_load %arg16[%swap3A] {strides = array<i32>} : memref<10000xi32, #tpu.memory_space<vmem>>, vector<16xi32>,
      tpu.vector_store %arg16[%swap3A], %add3A_442 {strides = array<i32>} : memref<10000xi32, #tpu.memory_space<vmem>>, vector<16xi32>,
      %mul3A_444 = arith.constant 80 : i32
      %mul3A_445 = arith.muli %scan3A_420, %mul3A_444 : i32
      %add3A_446 = arith.constant 16 : i32
      %add3A_447 = arith.addi %mul3A_445, %add3A_446 : i32
      %get3A_448 = arith.index_cast %add3A_447 : i32 to index
      %get3A_449 = tpu.vector_load %arg10[%get3A_448] {strides = array<i32>} : memref<10000xi32, #tpu.memory_space<vmem>>, vector<16xi32>,
      %get3A_450 = arith.index_cast %add3A_447 : i32 to index
      %get3A_451 = tpu.vector_load %arg11[%get3A_450] {strides = array<i32>} : memref<10000xi32, #tpu.memory_space<vmem>>, vector<16xi32>,
      %gather3A_452 = tpu.vector_load_idx %arg14[%get3A_451] : memref<10240xi32, #tpu.memory_space<vmem>>[vector<16xi32>], vector<16xi32>,
      %lt3A_453 = arith.constant 5000 : i32
      %lt3A_454 = vector.broadcast %lt3A_453 : i32 to vector<16xi32>
      %lt3A_455 = arith.cmpi slt, %get3A_449, %lt3A_454 : vector<16xi32>
      %jit3A_456 = arith.constant 0 : i32
      %jit3A_457 = arith.constant 5000 : i32
      %broadcast_in_dim3A_458 = vector.broadcast %jit3A_456 : i32 to vector<16xi32>
      %broadcast_in_dim3A_459 = vector.broadcast %jit3A_457 : i32 to vector<16xi32>
      %select_n3A_460 = arith.select %lt3A_455, %broadcast_in_dim3A_458, %broadcast_in_dim3A_459 : vector<16xi1>, vector<16xi32>
      %sub3A_461 = arith.subi %get3A_449, %select_n3A_460 : vector<16xi32>
      %shift_left3A_462 = arith.constant 7 : i32
      %shift_left3A_463 = vector.broadcast %shift_left3A_462 : i32 to vector<16xi32>
      %shift_left3A_464 = arith.shli %sub3A_461, %shift_left3A_463 : vector<16xi32>
      %jit3A_465 = arith.constant 0 : i32
      %jit3A_466 = arith.constant 64 : i32
      %broadcast_in_dim3A_467 = vector.broadcast %jit3A_465 : i32 to vector<16xi32>
      %broadcast_in_dim3A_468 = vector.broadcast %jit3A_466 : i32 to vector<16xi32>
      %select_n3A_469 = arith.select %lt3A_455, %broadcast_in_dim3A_467, %broadcast_in_dim3A_468 : vector<16xi1>, vector<16xi32>
      %add3A_470 = arith.addi %shift_left3A_464, %select_n3A_469 : vector<16xi32>
      %add3A_471 = arith.addi %add3A_470, %gather3A_452 : vector<16xi32>
      %swap3A_472 = arith.index_cast %add3A_447 : i32 to index
      %swap3A_473 = tpu.vector_load %arg16[%swap3A_472] {strides = array<i32>} : memref<10000xi32, #tpu.memory_space<vmem>>, vector<16xi32>,
      tpu.vector_store %arg16[%swap3A_472], %add3A_471 {strides = array<i32>} : memref<10000xi32, #tpu.memory_space<vmem>>, vector<16xi32>,
      %mul3A_474 = arith.constant 80 : i32
      %mul3A_475 = arith.muli %scan3A_420, %mul3A_474 : i32
      %add3A_476 = arith.constant 32 : i32
      %add3A_477 = arith.addi %mul3A_475, %add3A_476 : i32
      %get3A_478 = arith.index_cast %add3A_477 : i32 to index
      %get3A_479 = tpu.vector_load %arg10[%get3A_478] {strides = array<i32>} : memref<10000xi32, #tpu.memory_space<vmem>>, vector<16xi32>,
      %get3A_480 = arith.index_cast %add3A_477 : i32 to index
      %get3A_481 = tpu.vector_load %arg11[%get3A_480] {strides = array<i32>} : memref<10000xi32, #tpu.memory_space<vmem>>, vector<16xi32>,
      %gather3A_482 = tpu.vector_load_idx %arg14[%get3A_481] : memref<10240xi32, #tpu.memory_space<vmem>>[vector<16xi32>], vector<16xi32>,
      %lt3A_483 = arith.constant 5000 : i32
      %lt3A_484 = vector.broadcast %lt3A_483 : i32 to vector<16xi32>
      %lt3A_485 = arith.cmpi slt, %get3A_479, %lt3A_484 : vector<16xi32>
      %jit3A_486 = arith.constant 0 : i32
      %jit3A_487 = arith.constant 5000 : i32
      %broadcast_in_dim3A_488 = vector.broadcast %jit3A_486 : i32 to vector<16xi32>
      %broadcast_in_dim3A_489 = vector.broadcast %jit3A_487 : i32 to vector<16xi32>
      %select_n3A_490 = arith.select %lt3A_485, %broadcast_in_dim3A_488, %broadcast_in_dim3A_489 : vector<16xi1>, vector<16xi32>
      %sub3A_491 = arith.subi %get3A_479, %select_n3A_490 : vector<16xi32>
      %shift_left3A_492 = arith.constant 7 : i32
      %shift_left3A_493 = vector.broadcast %shift_left3A_492 : i32 to vector<16xi32>
      %shift_left3A_494 = arith.shli %sub3A_491, %shift_left3A_493 : vector<16xi32>
      %jit3A_495 = arith.constant 0 : i32
      %jit3A_496 = arith.constant 64 : i32
      %broadcast_in_dim3A_497 = vector.broadcast %jit3A_495 : i32 to vector<16xi32>
      %broadcast_in_dim3A_498 = vector.broadcast %jit3A_496 : i32 to vector<16xi32>
      %select_n3A_499 = arith.select %lt3A_485, %broadcast_in_dim3A_497, %broadcast_in_dim3A_498 : vector<16xi1>, vector<16xi32>
      %add3A_500 = arith.addi %shift_left3A_494, %select_n3A_499 : vector<16xi32>
      %add3A_501 = arith.addi %add3A_500, %gather3A_482 : vector<16xi32>
      %swap3A_502 = arith.index_cast %add3A_477 : i32 to index
      %swap3A_503 = tpu.vector_load %arg16[%swap3A_502] {strides = array<i32>} : memref<10000xi32, #tpu.memory_space<vmem>>, vector<16xi32>,
      tpu.vector_store %arg16[%swap3A_502], %add3A_501 {strides = array<i32>} : memref<10000xi32, #tpu.memory_space<vmem>>, vector<16xi32>,
      %mul3A_504 = arith.constant 80 : i32
      %mul3A_505 = arith.muli %scan3A_420, %mul3A_504 : i32
      %add3A_506 = arith.constant 48 : i32
      %add3A_507 = arith.addi %mul3A_505, %add3A_506 : i32
      %get3A_508 = arith.index_cast %add3A_507 : i32 to index
      %get3A_509 = tpu.vector_load %arg10[%get3A_508] {strides = array<i32>} : memref<10000xi32, #tpu.memory_space<vmem>>, vector<16xi32>,
      %get3A_510 = arith.index_cast %add3A_507 : i32 to index
      %get3A_511 = tpu.vector_load %arg11[%get3A_510] {strides = array<i32>} : memref<10000xi32, #tpu.memory_space<vmem>>, vector<16xi32>,
      %gather3A_512 = tpu.vector_load_idx %arg14[%get3A_511] : memref<10240xi32, #tpu.memory_space<vmem>>[vector<16xi32>], vector<16xi32>,
      %lt3A_513 = arith.constant 5000 : i32
      %lt3A_514 = vector.broadcast %lt3A_513 : i32 to vector<16xi32>
      %lt3A_515 = arith.cmpi slt, %get3A_509, %lt3A_514 : vector<16xi32>
      %jit3A_516 = arith.constant 0 : i32
      %jit3A_517 = arith.constant 5000 : i32
      %broadcast_in_dim3A_518 = vector.broadcast %jit3A_516 : i32 to vector<16xi32>
      %broadcast_in_dim3A_519 = vector.broadcast %jit3A_517 : i32 to vector<16xi32>
      %select_n3A_520 = arith.select %lt3A_515, %broadcast_in_dim3A_518, %broadcast_in_dim3A_519 : vector<16xi1>, vector<16xi32>
      %sub3A_521 = arith.subi %get3A_509, %select_n3A_520 : vector<16xi32>
      %shift_left3A_522 = arith.constant 7 : i32
      %shift_left3A_523 = vector.broadcast %shift_left3A_522 : i32 to vector<16xi32>
      %shift_left3A_524 = arith.shli %sub3A_521, %shift_left3A_523 : vector<16xi32>
      %jit3A_525 = arith.constant 0 : i32
      %jit3A_526 = arith.constant 64 : i32
      %broadcast_in_dim3A_527 = vector.broadcast %jit3A_525 : i32 to vector<16xi32>
      %broadcast_in_dim3A_528 = vector.broadcast %jit3A_526 : i32 to vector<16xi32>
      %select_n3A_529 = arith.select %lt3A_515, %broadcast_in_dim3A_527, %broadcast_in_dim3A_528 : vector<16xi1>, vector<16xi32>
      %add3A_530 = arith.addi %shift_left3A_524, %select_n3A_529 : vector<16xi32>
      %add3A_531 = arith.addi %add3A_530, %gather3A_512 : vector<16xi32>
      %swap3A_532 = arith.index_cast %add3A_507 : i32 to index
      %swap3A_533 = tpu.vector_load %arg16[%swap3A_532] {strides = array<i32>} : memref<10000xi32, #tpu.memory_space<vmem>>, vector<16xi32>,
      tpu.vector_store %arg16[%swap3A_532], %add3A_531 {strides = array<i32>} : memref<10000xi32, #tpu.memory_space<vmem>>, vector<16xi32>,
      %mul3A_534 = arith.constant 80 : i32
      %mul3A_535 = arith.muli %scan3A_420, %mul3A_534 : i32
      %add3A_536 = arith.constant 64 : i32
      %add3A_537 = arith.addi %mul3A_535, %add3A_536 : i32
      %get3A_538 = arith.index_cast %add3A_537 : i32 to index
      %get3A_539 = tpu.vector_load %arg10[%get3A_538] {strides = array<i32>} : memref<10000xi32, #tpu.memory_space<vmem>>, vector<16xi32>,
      %get3A_540 = arith.index_cast %add3A_537 : i32 to index
      %get3A_541 = tpu.vector_load %arg11[%get3A_540] {strides = array<i32>} : memref<10000xi32, #tpu.memory_space<vmem>>, vector<16xi32>,
      %gather3A_542 = tpu.vector_load_idx %arg14[%get3A_541] : memref<10240xi32, #tpu.memory_space<vmem>>[vector<16xi32>], vector<16xi32>,
      %lt3A_543 = arith.constant 5000 : i32
      %lt3A_544 = vector.broadcast %lt3A_543 : i32 to vector<16xi32>
      %lt3A_545 = arith.cmpi slt, %get3A_539, %lt3A_544 : vector<16xi32>
      %jit3A_546 = arith.constant 0 : i32
      %jit3A_547 = arith.constant 5000 : i32
      %broadcast_in_dim3A_548 = vector.broadcast %jit3A_546 : i32 to vector<16xi32>
      %broadcast_in_dim3A_549 = vector.broadcast %jit3A_547 : i32 to vector<16xi32>
      %select_n3A_550 = arith.select %lt3A_545, %broadcast_in_dim3A_548, %broadcast_in_dim3A_549 : vector<16xi1>, vector<16xi32>
      %sub3A_551 = arith.subi %get3A_539, %select_n3A_550 : vector<16xi32>
      %shift_left3A_552 = arith.constant 7 : i32
      %shift_left3A_553 = vector.broadcast %shift_left3A_552 : i32 to vector<16xi32>
      %shift_left3A_554 = arith.shli %sub3A_551, %shift_left3A_553 : vector<16xi32>
      %jit3A_555 = arith.constant 0 : i32
      %jit3A_556 = arith.constant 64 : i32
      %broadcast_in_dim3A_557 = vector.broadcast %jit3A_555 : i32 to vector<16xi32>
      %broadcast_in_dim3A_558 = vector.broadcast %jit3A_556 : i32 to vector<16xi32>
      %select_n3A_559 = arith.select %lt3A_545, %broadcast_in_dim3A_557, %broadcast_in_dim3A_558 : vector<16xi1>, vector<16xi32>
      %add3A_560 = arith.addi %shift_left3A_554, %select_n3A_559 : vector<16xi32>
      %add3A_561 = arith.addi %add3A_560, %gather3A_542 : vector<16xi32>
      %swap3A_562 = arith.index_cast %add3A_537 : i32 to index
      %swap3A_563 = tpu.vector_load %arg16[%swap3A_562] {strides = array<i32>} : memref<10000xi32, #tpu.memory_space<vmem>>, vector<16xi32>,
      tpu.vector_store %arg16[%swap3A_562], %add3A_561 {strides = array<i32>} : memref<10000xi32, #tpu.memory_space<vmem>>, vector<16xi32>,
      %scan3A_564 = arith.constant 0 : i32
      scf.yield %scan3A_564 : i32
    }
    %scan3A_250 = arith.constant 125 : i32
    %dma_wait3A_251 = arith.constant 0 : i32
    %dma_wait3A_252 = tpu.memref_slice %arg22[%dma_wait3A_251] : memref<10240xf32, #tpu.memory_space<vmem_shared>> -> memref<10240xf32, #tpu.memory_space<vmem_shared>>
    tpu.wait_indirect_dma semaphore(%arg26 : memref<!tpu.dma_semaphore, #tpu.memory_space<semaphore_mem>>) src(%arg8 : memref<10000xf32, #tpu.memory_space<vmem>>) dst(%dma_wait3A_252 : memref<10240xf32, #tpu.memory_space<vmem_shared>>)
    %dma_wait3A_253 = arith.constant 0 : i32
    %dma_wait3A_254 = tpu.memref_slice %arg22[%dma_wait3A_253] : memref<10240xf32, #tpu.memory_space<vmem_shared>> -> memref<10240xf32, #tpu.memory_space<vmem_shared>>
    tpu.wait_indirect_dma semaphore(%arg26 : memref<!tpu.dma_semaphore, #tpu.memory_space<semaphore_mem>>) src(%arg8 : memref<10000xf32, #tpu.memory_space<vmem>>) dst(%dma_wait3A_254 : memref<10240xf32, #tpu.memory_space<vmem_shared>>)
    %barrier3A_255 = arith.constant 0 : index
    tpu.barrier barrier_id(%barrier3A_255)
    %mul3A_256 = arith.constant 640 : i32
    %mul3A_257 = arith.muli %arg1, %mul3A_256 : i32
    "tpu.region"() ({
      %run_scoped3A = tpu.sem_alloc : memref<!tpu.dma_semaphore, #tpu.memory_space<semaphore_mem>>
      %dma_start3A_420 = tpu.memref_slice %arg22[%mul3A_257] : memref<10240xf32, #tpu.memory_space<vmem_shared>> -> memref<640xf32, #tpu.memory_space<vmem_shared>>
      %dma_start3A_421 = tpu.memref_slice %arg22[%mul3A_257] : memref<10240xf32, #tpu.memory_space<vmem_shared>> -> memref<640xf32, #tpu.memory_space<vmem_shared>>
      tpu.enqueue_dma source(%dma_start3A_421 : memref<640xf32, #tpu.memory_space<vmem_shared>>) target(%arg12 : memref<640xf32, #tpu.memory_space<vmem>>) target_semaphore(%run_scoped3A : memref<!tpu.dma_semaphore, #tpu.memory_space<semaphore_mem>>)
      %dma_wait3A_422 = tpu.memref_slice %arg22[%mul3A_257] : memref<10240xf32, #tpu.memory_space<vmem_shared>> -> memref<640xf32, #tpu.memory_space<vmem_shared>>
      %dma_wait3A_423 = tpu.memref_slice %arg22[%mul3A_257] : memref<10240xf32, #tpu.memory_space<vmem_shared>> -> memref<640xf32, #tpu.memory_space<vmem_shared>>
      tpu.wait_dma2 semaphore(%run_scoped3A : memref<!tpu.dma_semaphore, #tpu.memory_space<semaphore_mem>>) src(%dma_wait3A_423 : memref<640xf32, #tpu.memory_space<vmem_shared>>) dst(%arg12 : memref<640xf32, #tpu.memory_space<vmem>>)
      tpu.yield
    }) : () -> ()
    %scan3A_258 = arith.constant 0 : i32
    %scan3A_259 = arith.constant 0 : i32
    %scan3A_260 = arith.constant 40 : i32
    %scan3A_261 = arith.addi %scan3A_259, %scan3A_260 : i32
    %scan3A_262 = arith.constant 1 : i32
    %scan3A_263 = scf.for %scan3A_420 = %scan3A_259 to %scan3A_261 step %scan3A_262 iter_args(%scan3A_421 = %scan3A_258) -> (i32)  : i32 {
      %mul3A_422 = arith.constant 16 : i32
      %mul3A_423 = arith.muli %scan3A_420, %mul3A_422 : i32
      %get3A = arith.index_cast %mul3A_423 : i32 to index
      %get3A_424 = tpu.vector_load %arg12[%get3A] {strides = array<i32>} : memref<640xf32, #tpu.memory_space<vmem>>, vector<16xf32>,
      %add3A_425 = arith.constant 1.000000e+00 : f32
      %add3A_426 = vector.broadcast %add3A_425 : f32 to vector<16xf32>
      %add3A_427 = arith.addf %get3A_424, %add3A_426 : vector<16xf32>
      %bitcast_convert_type3A = tpu.bitcast %add3A_427 : vector<16xf32> -> vector<16xi32>
      %shift_right_logical3A = arith.constant 1 : i32
      %shift_right_logical3A_428 = vector.broadcast %shift_right_logical3A : i32 to vector<16xi32>
      %shift_right_logical3A_429 = arith.shrui %bitcast_convert_type3A, %shift_right_logical3A_428 : vector<16xi32>
      %sub3A_430 = arith.constant 1597463007 : i32
      %sub3A_431 = vector.broadcast %sub3A_430 : i32 to vector<16xi32>
      %sub3A_432 = arith.subi %sub3A_431, %shift_right_logical3A_429 : vector<16xi32>
      %bitcast_convert_type3A_433 = tpu.bitcast %sub3A_432 : vector<16xi32> -> vector<16xf32>
      %mul3A_434 = arith.constant 5.000000e-01 : f32
      %mul3A_435 = vector.broadcast %mul3A_434 : f32 to vector<16xf32>
      %mul3A_436 = arith.mulf %mul3A_435, %add3A_427 : vector<16xf32>
      %mul3A_437 = arith.mulf %mul3A_436, %bitcast_convert_type3A_433 : vector<16xf32>
      %mul3A_438 = arith.mulf %mul3A_437, %bitcast_convert_type3A_433 : vector<16xf32>
      %sub3A_439 = arith.constant 1.500000e+00 : f32
      %sub3A_440 = vector.broadcast %sub3A_439 : f32 to vector<16xf32>
      %sub3A_441 = arith.subf %sub3A_440, %mul3A_438 : vector<16xf32>
      %mul3A_442 = arith.mulf %bitcast_convert_type3A_433, %sub3A_441 : vector<16xf32>
      %mul3A_443 = arith.constant 5.000000e-01 : f32
      %mul3A_444 = vector.broadcast %mul3A_443 : f32 to vector<16xf32>
      %mul3A_445 = arith.mulf %mul3A_444, %add3A_427 : vector<16xf32>
      %mul3A_446 = arith.mulf %mul3A_445, %mul3A_442 : vector<16xf32>
      %mul3A_447 = arith.mulf %mul3A_446, %mul3A_442 : vector<16xf32>
      %sub3A_448 = arith.constant 1.500000e+00 : f32
      %sub3A_449 = vector.broadcast %sub3A_448 : f32 to vector<16xf32>
      %sub3A_450 = arith.subf %sub3A_449, %mul3A_447 : vector<16xf32>
      %mul3A_451 = arith.mulf %mul3A_442, %sub3A_450 : vector<16xf32>
      %mul3A_452 = arith.constant 5.000000e-01 : f32
      %mul3A_453 = vector.broadcast %mul3A_452 : f32 to vector<16xf32>
      %mul3A_454 = arith.mulf %mul3A_453, %add3A_427 : vector<16xf32>
      %mul3A_455 = arith.mulf %mul3A_454, %mul3A_451 : vector<16xf32>
      %mul3A_456 = arith.mulf %mul3A_455, %mul3A_451 : vector<16xf32>
      %sub3A_457 = arith.constant 1.500000e+00 : f32
      %sub3A_458 = vector.broadcast %sub3A_457 : f32 to vector<16xf32>
      %sub3A_459 = arith.subf %sub3A_458, %mul3A_456 : vector<16xf32>
      %mul3A_460 = arith.mulf %mul3A_451, %sub3A_459 : vector<16xf32>
      %mul3A_461 = arith.constant 640 : i32
      %mul3A_462 = arith.muli %arg1, %mul3A_461 : i32
      %mul3A_463 = arith.constant 16 : i32
      %mul3A_464 = arith.muli %scan3A_420, %mul3A_463 : i32
      %add3A_465 = arith.addi %mul3A_462, %mul3A_464 : i32
      %iota3A = tpu.iota {dimensions = array<i32: 0>} : vector<16xi32>
      %add3A_466 = vector.broadcast %add3A_465 : i32 to vector<16xi32>
      %add3A_467 = arith.addi %add3A_466, %iota3A : vector<16xi32>
      %lt3A = arith.constant 10000 : i32
      %lt3A_468 = vector.broadcast %lt3A : i32 to vector<16xi32>
      %lt3A_469 = arith.cmpi slt, %add3A_467, %lt3A_468 : vector<16xi32>
      %jit3A = arith.constant 0.000000e+00 : f32
      %broadcast_in_dim3A = vector.broadcast %jit3A : f32 to vector<16xf32>
      %select_n3A = arith.select %lt3A_469, %mul3A_460, %broadcast_in_dim3A : vector<16xi1>, vector<16xf32>
      %mul3A_470 = arith.constant 16 : i32
      %mul3A_471 = arith.muli %scan3A_420, %mul3A_470 : i32
      %swap3A = arith.index_cast %mul3A_471 : i32 to index
      %swap3A_472 = tpu.vector_load %arg13[%swap3A] {strides = array<i32>} : memref<640xf32, #tpu.memory_space<vmem>>, vector<16xf32>,
      tpu.vector_store %arg13[%swap3A], %select_n3A {strides = array<i32>} : memref<640xf32, #tpu.memory_space<vmem>>, vector<16xf32>,
      %scan3A_473 = arith.constant 0 : i32
      scf.yield %scan3A_473 : i32
    }
    %scan3A_264 = arith.constant 40 : i32
    %mul3A_265 = arith.constant 640 : i32
    %mul3A_266 = arith.muli %arg1, %mul3A_265 : i32
    "tpu.region"() ({
      %run_scoped3A = tpu.sem_alloc : memref<!tpu.dma_semaphore, #tpu.memory_space<semaphore_mem>>
      %dma_start3A_420 = tpu.memref_slice %arg23[%mul3A_266] : memref<10240xf32, #tpu.memory_space<vmem_shared>> -> memref<640xf32, #tpu.memory_space<vmem_shared>>
      %dma_start3A_421 = tpu.memref_slice %arg23[%mul3A_266] : memref<10240xf32, #tpu.memory_space<vmem_shared>> -> memref<640xf32, #tpu.memory_space<vmem_shared>>
      tpu.enqueue_dma source(%arg13 : memref<640xf32, #tpu.memory_space<vmem>>) target(%dma_start3A_421 : memref<640xf32, #tpu.memory_space<vmem_shared>>) target_semaphore(%run_scoped3A : memref<!tpu.dma_semaphore, #tpu.memory_space<semaphore_mem>>)
      %dma_wait3A_422 = tpu.memref_slice %arg23[%mul3A_266] : memref<10240xf32, #tpu.memory_space<vmem_shared>> -> memref<640xf32, #tpu.memory_space<vmem_shared>>
      %dma_wait3A_423 = tpu.memref_slice %arg23[%mul3A_266] : memref<10240xf32, #tpu.memory_space<vmem_shared>> -> memref<640xf32, #tpu.memory_space<vmem_shared>>
      tpu.wait_dma2 semaphore(%run_scoped3A : memref<!tpu.dma_semaphore, #tpu.memory_space<semaphore_mem>>) src(%arg13 : memref<640xf32, #tpu.memory_space<vmem>>) dst(%dma_wait3A_423 : memref<640xf32, #tpu.memory_space<vmem_shared>>)
      tpu.yield
    }) : () -> ()
    %dma_wait3A_267 = arith.constant 0 : i32
    %dma_wait3A_268 = tpu.memref_slice %arg7[%dma_wait3A_267] : memref<2048xf32, #tpu.memory_space<vmem>> -> memref<2048xf32, #tpu.memory_space<vmem>>
    %dma_wait3A_269 = tpu.memref_slice %arg24[%add3A_38] : memref<640000xf32, #tpu.memory_space<vmem_shared>> -> memref<2048xf32, #tpu.memory_space<vmem_shared>>
    %dma_wait3A_270 = tpu.memref_slice %arg24[%add3A_38] : memref<640000xf32, #tpu.memory_space<vmem_shared>> -> memref<2048xf32, #tpu.memory_space<vmem_shared>>
    %dma_wait3A_271 = arith.constant 0 : i32
    %dma_wait3A_272 = tpu.memref_slice %arg7[%dma_wait3A_271] : memref<2048xf32, #tpu.memory_space<vmem>> -> memref<2048xf32, #tpu.memory_space<vmem>>
    tpu.wait_dma2 semaphore(%arg28 : memref<!tpu.dma_semaphore, #tpu.memory_space<semaphore_mem>>) src(%dma_wait3A_272 : memref<2048xf32, #tpu.memory_space<vmem>>) dst(%dma_wait3A_270 : memref<2048xf32, #tpu.memory_space<vmem_shared>>)
    %dma_wait3A_273 = arith.constant 0 : i32
    %dma_wait3A_274 = tpu.memref_slice %arg7[%dma_wait3A_273] : memref<2048xf32, #tpu.memory_space<vmem>> -> memref<2048xf32, #tpu.memory_space<vmem>>
    %dma_wait3A_275 = tpu.memref_slice %arg24[%add3A_48] : memref<640000xf32, #tpu.memory_space<vmem_shared>> -> memref<2048xf32, #tpu.memory_space<vmem_shared>>
    %dma_wait3A_276 = tpu.memref_slice %arg24[%add3A_48] : memref<640000xf32, #tpu.memory_space<vmem_shared>> -> memref<2048xf32, #tpu.memory_space<vmem_shared>>
    %dma_wait3A_277 = arith.constant 0 : i32
    %dma_wait3A_278 = tpu.memref_slice %arg7[%dma_wait3A_277] : memref<2048xf32, #tpu.memory_space<vmem>> -> memref<2048xf32, #tpu.memory_space<vmem>>
    tpu.wait_dma2 semaphore(%arg28 : memref<!tpu.dma_semaphore, #tpu.memory_space<semaphore_mem>>) src(%dma_wait3A_278 : memref<2048xf32, #tpu.memory_space<vmem>>) dst(%dma_wait3A_276 : memref<2048xf32, #tpu.memory_space<vmem_shared>>)
    %dma_wait3A_279 = arith.constant 0 : i32
    %dma_wait3A_280 = tpu.memref_slice %arg7[%dma_wait3A_279] : memref<2048xf32, #tpu.memory_space<vmem>> -> memref<2048xf32, #tpu.memory_space<vmem>>
    %dma_wait3A_281 = tpu.memref_slice %arg24[%add3A_58] : memref<640000xf32, #tpu.memory_space<vmem_shared>> -> memref<2048xf32, #tpu.memory_space<vmem_shared>>
    %dma_wait3A_282 = tpu.memref_slice %arg24[%add3A_58] : memref<640000xf32, #tpu.memory_space<vmem_shared>> -> memref<2048xf32, #tpu.memory_space<vmem_shared>>
    %dma_wait3A_283 = arith.constant 0 : i32
    %dma_wait3A_284 = tpu.memref_slice %arg7[%dma_wait3A_283] : memref<2048xf32, #tpu.memory_space<vmem>> -> memref<2048xf32, #tpu.memory_space<vmem>>
    tpu.wait_dma2 semaphore(%arg28 : memref<!tpu.dma_semaphore, #tpu.memory_space<semaphore_mem>>) src(%dma_wait3A_284 : memref<2048xf32, #tpu.memory_space<vmem>>) dst(%dma_wait3A_282 : memref<2048xf32, #tpu.memory_space<vmem_shared>>)
    %dma_wait3A_285 = arith.constant 0 : i32
    %dma_wait3A_286 = tpu.memref_slice %arg7[%dma_wait3A_285] : memref<2048xf32, #tpu.memory_space<vmem>> -> memref<2048xf32, #tpu.memory_space<vmem>>
    %dma_wait3A_287 = tpu.memref_slice %arg24[%add3A_68] : memref<640000xf32, #tpu.memory_space<vmem_shared>> -> memref<2048xf32, #tpu.memory_space<vmem_shared>>
    %dma_wait3A_288 = tpu.memref_slice %arg24[%add3A_68] : memref<640000xf32, #tpu.memory_space<vmem_shared>> -> memref<2048xf32, #tpu.memory_space<vmem_shared>>
    %dma_wait3A_289 = arith.constant 0 : i32
    %dma_wait3A_290 = tpu.memref_slice %arg7[%dma_wait3A_289] : memref<2048xf32, #tpu.memory_space<vmem>> -> memref<2048xf32, #tpu.memory_space<vmem>>
    tpu.wait_dma2 semaphore(%arg28 : memref<!tpu.dma_semaphore, #tpu.memory_space<semaphore_mem>>) src(%dma_wait3A_290 : memref<2048xf32, #tpu.memory_space<vmem>>) dst(%dma_wait3A_288 : memref<2048xf32, #tpu.memory_space<vmem_shared>>)
    %dma_wait3A_291 = arith.constant 0 : i32
    %dma_wait3A_292 = tpu.memref_slice %arg7[%dma_wait3A_291] : memref<2048xf32, #tpu.memory_space<vmem>> -> memref<2048xf32, #tpu.memory_space<vmem>>
    %dma_wait3A_293 = tpu.memref_slice %arg24[%add3A_78] : memref<640000xf32, #tpu.memory_space<vmem_shared>> -> memref<2048xf32, #tpu.memory_space<vmem_shared>>
    %dma_wait3A_294 = tpu.memref_slice %arg24[%add3A_78] : memref<640000xf32, #tpu.memory_space<vmem_shared>> -> memref<2048xf32, #tpu.memory_space<vmem_shared>>
    %dma_wait3A_295 = arith.constant 0 : i32
    %dma_wait3A_296 = tpu.memref_slice %arg7[%dma_wait3A_295] : memref<2048xf32, #tpu.memory_space<vmem>> -> memref<2048xf32, #tpu.memory_space<vmem>>
    tpu.wait_dma2 semaphore(%arg28 : memref<!tpu.dma_semaphore, #tpu.memory_space<semaphore_mem>>) src(%dma_wait3A_296 : memref<2048xf32, #tpu.memory_space<vmem>>) dst(%dma_wait3A_294 : memref<2048xf32, #tpu.memory_space<vmem_shared>>)
    %dma_wait3A_297 = arith.constant 0 : i32
    %dma_wait3A_298 = tpu.memref_slice %arg7[%dma_wait3A_297] : memref<2048xf32, #tpu.memory_space<vmem>> -> memref<2048xf32, #tpu.memory_space<vmem>>
    %dma_wait3A_299 = tpu.memref_slice %arg24[%add3A_88] : memref<640000xf32, #tpu.memory_space<vmem_shared>> -> memref<2048xf32, #tpu.memory_space<vmem_shared>>
    %dma_wait3A_300 = tpu.memref_slice %arg24[%add3A_88] : memref<640000xf32, #tpu.memory_space<vmem_shared>> -> memref<2048xf32, #tpu.memory_space<vmem_shared>>
    %dma_wait3A_301 = arith.constant 0 : i32
    %dma_wait3A_302 = tpu.memref_slice %arg7[%dma_wait3A_301] : memref<2048xf32, #tpu.memory_space<vmem>> -> memref<2048xf32, #tpu.memory_space<vmem>>
    tpu.wait_dma2 semaphore(%arg28 : memref<!tpu.dma_semaphore, #tpu.memory_space<semaphore_mem>>) src(%dma_wait3A_302 : memref<2048xf32, #tpu.memory_space<vmem>>) dst(%dma_wait3A_300 : memref<2048xf32, #tpu.memory_space<vmem_shared>>)
    %dma_wait3A_303 = arith.constant 0 : i32
    %dma_wait3A_304 = tpu.memref_slice %arg7[%dma_wait3A_303] : memref<2048xf32, #tpu.memory_space<vmem>> -> memref<2048xf32, #tpu.memory_space<vmem>>
    %dma_wait3A_305 = tpu.memref_slice %arg24[%add3A_98] : memref<640000xf32, #tpu.memory_space<vmem_shared>> -> memref<2048xf32, #tpu.memory_space<vmem_shared>>
    %dma_wait3A_306 = tpu.memref_slice %arg24[%add3A_98] : memref<640000xf32, #tpu.memory_space<vmem_shared>> -> memref<2048xf32, #tpu.memory_space<vmem_shared>>
    %dma_wait3A_307 = arith.constant 0 : i32
    %dma_wait3A_308 = tpu.memref_slice %arg7[%dma_wait3A_307] : memref<2048xf32, #tpu.memory_space<vmem>> -> memref<2048xf32, #tpu.memory_space<vmem>>
    tpu.wait_dma2 semaphore(%arg28 : memref<!tpu.dma_semaphore, #tpu.memory_space<semaphore_mem>>) src(%dma_wait3A_308 : memref<2048xf32, #tpu.memory_space<vmem>>) dst(%dma_wait3A_306 : memref<2048xf32, #tpu.memory_space<vmem_shared>>)
    %dma_wait3A_309 = arith.constant 0 : i32
    %dma_wait3A_310 = tpu.memref_slice %arg7[%dma_wait3A_309] : memref<2048xf32, #tpu.memory_space<vmem>> -> memref<2048xf32, #tpu.memory_space<vmem>>
    %dma_wait3A_311 = tpu.memref_slice %arg24[%add3A_108] : memref<640000xf32, #tpu.memory_space<vmem_shared>> -> memref<2048xf32, #tpu.memory_space<vmem_shared>>
    %dma_wait3A_312 = tpu.memref_slice %arg24[%add3A_108] : memref<640000xf32, #tpu.memory_space<vmem_shared>> -> memref<2048xf32, #tpu.memory_space<vmem_shared>>
    %dma_wait3A_313 = arith.constant 0 : i32
    %dma_wait3A_314 = tpu.memref_slice %arg7[%dma_wait3A_313] : memref<2048xf32, #tpu.memory_space<vmem>> -> memref<2048xf32, #tpu.memory_space<vmem>>
    tpu.wait_dma2 semaphore(%arg28 : memref<!tpu.dma_semaphore, #tpu.memory_space<semaphore_mem>>) src(%dma_wait3A_314 : memref<2048xf32, #tpu.memory_space<vmem>>) dst(%dma_wait3A_312 : memref<2048xf32, #tpu.memory_space<vmem_shared>>)
    %dma_wait3A_315 = arith.constant 0 : i32
    %dma_wait3A_316 = tpu.memref_slice %arg7[%dma_wait3A_315] : memref<2048xf32, #tpu.memory_space<vmem>> -> memref<2048xf32, #tpu.memory_space<vmem>>
    %dma_wait3A_317 = tpu.memref_slice %arg24[%add3A_118] : memref<640000xf32, #tpu.memory_space<vmem_shared>> -> memref<2048xf32, #tpu.memory_space<vmem_shared>>
    %dma_wait3A_318 = tpu.memref_slice %arg24[%add3A_118] : memref<640000xf32, #tpu.memory_space<vmem_shared>> -> memref<2048xf32, #tpu.memory_space<vmem_shared>>
    %dma_wait3A_319 = arith.constant 0 : i32
    %dma_wait3A_320 = tpu.memref_slice %arg7[%dma_wait3A_319] : memref<2048xf32, #tpu.memory_space<vmem>> -> memref<2048xf32, #tpu.memory_space<vmem>>
    tpu.wait_dma2 semaphore(%arg28 : memref<!tpu.dma_semaphore, #tpu.memory_space<semaphore_mem>>) src(%dma_wait3A_320 : memref<2048xf32, #tpu.memory_space<vmem>>) dst(%dma_wait3A_318 : memref<2048xf32, #tpu.memory_space<vmem_shared>>)
    %dma_wait3A_321 = arith.constant 0 : i32
    %dma_wait3A_322 = tpu.memref_slice %arg7[%dma_wait3A_321] : memref<2048xf32, #tpu.memory_space<vmem>> -> memref<2048xf32, #tpu.memory_space<vmem>>
    %dma_wait3A_323 = tpu.memref_slice %arg24[%add3A_128] : memref<640000xf32, #tpu.memory_space<vmem_shared>> -> memref<2048xf32, #tpu.memory_space<vmem_shared>>
    %dma_wait3A_324 = tpu.memref_slice %arg24[%add3A_128] : memref<640000xf32, #tpu.memory_space<vmem_shared>> -> memref<2048xf32, #tpu.memory_space<vmem_shared>>
    %dma_wait3A_325 = arith.constant 0 : i32
    %dma_wait3A_326 = tpu.memref_slice %arg7[%dma_wait3A_325] : memref<2048xf32, #tpu.memory_space<vmem>> -> memref<2048xf32, #tpu.memory_space<vmem>>
    tpu.wait_dma2 semaphore(%arg28 : memref<!tpu.dma_semaphore, #tpu.memory_space<semaphore_mem>>) src(%dma_wait3A_326 : memref<2048xf32, #tpu.memory_space<vmem>>) dst(%dma_wait3A_324 : memref<2048xf32, #tpu.memory_space<vmem_shared>>)
    %dma_wait3A_327 = arith.constant 0 : i32
    %dma_wait3A_328 = tpu.memref_slice %arg7[%dma_wait3A_327] : memref<2048xf32, #tpu.memory_space<vmem>> -> memref<2048xf32, #tpu.memory_space<vmem>>
    %dma_wait3A_329 = tpu.memref_slice %arg24[%add3A_138] : memref<640000xf32, #tpu.memory_space<vmem_shared>> -> memref<2048xf32, #tpu.memory_space<vmem_shared>>
    %dma_wait3A_330 = tpu.memref_slice %arg24[%add3A_138] : memref<640000xf32, #tpu.memory_space<vmem_shared>> -> memref<2048xf32, #tpu.memory_space<vmem_shared>>
    %dma_wait3A_331 = arith.constant 0 : i32
    %dma_wait3A_332 = tpu.memref_slice %arg7[%dma_wait3A_331] : memref<2048xf32, #tpu.memory_space<vmem>> -> memref<2048xf32, #tpu.memory_space<vmem>>
    tpu.wait_dma2 semaphore(%arg28 : memref<!tpu.dma_semaphore, #tpu.memory_space<semaphore_mem>>) src(%dma_wait3A_332 : memref<2048xf32, #tpu.memory_space<vmem>>) dst(%dma_wait3A_330 : memref<2048xf32, #tpu.memory_space<vmem_shared>>)
    %dma_wait3A_333 = arith.constant 0 : i32
    %dma_wait3A_334 = tpu.memref_slice %arg7[%dma_wait3A_333] : memref<2048xf32, #tpu.memory_space<vmem>> -> memref<2048xf32, #tpu.memory_space<vmem>>
    %dma_wait3A_335 = tpu.memref_slice %arg24[%add3A_148] : memref<640000xf32, #tpu.memory_space<vmem_shared>> -> memref<2048xf32, #tpu.memory_space<vmem_shared>>
    %dma_wait3A_336 = tpu.memref_slice %arg24[%add3A_148] : memref<640000xf32, #tpu.memory_space<vmem_shared>> -> memref<2048xf32, #tpu.memory_space<vmem_shared>>
    %dma_wait3A_337 = arith.constant 0 : i32
    %dma_wait3A_338 = tpu.memref_slice %arg7[%dma_wait3A_337] : memref<2048xf32, #tpu.memory_space<vmem>> -> memref<2048xf32, #tpu.memory_space<vmem>>
    tpu.wait_dma2 semaphore(%arg28 : memref<!tpu.dma_semaphore, #tpu.memory_space<semaphore_mem>>) src(%dma_wait3A_338 : memref<2048xf32, #tpu.memory_space<vmem>>) dst(%dma_wait3A_336 : memref<2048xf32, #tpu.memory_space<vmem_shared>>)
    %dma_wait3A_339 = arith.constant 0 : i32
    %dma_wait3A_340 = tpu.memref_slice %arg7[%dma_wait3A_339] : memref<2048xf32, #tpu.memory_space<vmem>> -> memref<2048xf32, #tpu.memory_space<vmem>>
    %dma_wait3A_341 = tpu.memref_slice %arg24[%add3A_158] : memref<640000xf32, #tpu.memory_space<vmem_shared>> -> memref<2048xf32, #tpu.memory_space<vmem_shared>>
    %dma_wait3A_342 = tpu.memref_slice %arg24[%add3A_158] : memref<640000xf32, #tpu.memory_space<vmem_shared>> -> memref<2048xf32, #tpu.memory_space<vmem_shared>>
    %dma_wait3A_343 = arith.constant 0 : i32
    %dma_wait3A_344 = tpu.memref_slice %arg7[%dma_wait3A_343] : memref<2048xf32, #tpu.memory_space<vmem>> -> memref<2048xf32, #tpu.memory_space<vmem>>
    tpu.wait_dma2 semaphore(%arg28 : memref<!tpu.dma_semaphore, #tpu.memory_space<semaphore_mem>>) src(%dma_wait3A_344 : memref<2048xf32, #tpu.memory_space<vmem>>) dst(%dma_wait3A_342 : memref<2048xf32, #tpu.memory_space<vmem_shared>>)
    %dma_wait3A_345 = arith.constant 0 : i32
    %dma_wait3A_346 = tpu.memref_slice %arg7[%dma_wait3A_345] : memref<2048xf32, #tpu.memory_space<vmem>> -> memref<2048xf32, #tpu.memory_space<vmem>>
    %dma_wait3A_347 = tpu.memref_slice %arg24[%add3A_168] : memref<640000xf32, #tpu.memory_space<vmem_shared>> -> memref<2048xf32, #tpu.memory_space<vmem_shared>>
    %dma_wait3A_348 = tpu.memref_slice %arg24[%add3A_168] : memref<640000xf32, #tpu.memory_space<vmem_shared>> -> memref<2048xf32, #tpu.memory_space<vmem_shared>>
    %dma_wait3A_349 = arith.constant 0 : i32
    %dma_wait3A_350 = tpu.memref_slice %arg7[%dma_wait3A_349] : memref<2048xf32, #tpu.memory_space<vmem>> -> memref<2048xf32, #tpu.memory_space<vmem>>
    tpu.wait_dma2 semaphore(%arg28 : memref<!tpu.dma_semaphore, #tpu.memory_space<semaphore_mem>>) src(%dma_wait3A_350 : memref<2048xf32, #tpu.memory_space<vmem>>) dst(%dma_wait3A_348 : memref<2048xf32, #tpu.memory_space<vmem_shared>>)
    %dma_wait3A_351 = arith.constant 0 : i32
    %dma_wait3A_352 = tpu.memref_slice %arg7[%dma_wait3A_351] : memref<2048xf32, #tpu.memory_space<vmem>> -> memref<2048xf32, #tpu.memory_space<vmem>>
    %dma_wait3A_353 = tpu.memref_slice %arg24[%add3A_178] : memref<640000xf32, #tpu.memory_space<vmem_shared>> -> memref<2048xf32, #tpu.memory_space<vmem_shared>>
    %dma_wait3A_354 = tpu.memref_slice %arg24[%add3A_178] : memref<640000xf32, #tpu.memory_space<vmem_shared>> -> memref<2048xf32, #tpu.memory_space<vmem_shared>>
    %dma_wait3A_355 = arith.constant 0 : i32
    %dma_wait3A_356 = tpu.memref_slice %arg7[%dma_wait3A_355] : memref<2048xf32, #tpu.memory_space<vmem>> -> memref<2048xf32, #tpu.memory_space<vmem>>
    tpu.wait_dma2 semaphore(%arg28 : memref<!tpu.dma_semaphore, #tpu.memory_space<semaphore_mem>>) src(%dma_wait3A_356 : memref<2048xf32, #tpu.memory_space<vmem>>) dst(%dma_wait3A_354 : memref<2048xf32, #tpu.memory_space<vmem_shared>>)
    %dma_wait3A_357 = arith.constant 0 : i32
    %dma_wait3A_358 = tpu.memref_slice %arg7[%dma_wait3A_357] : memref<2048xf32, #tpu.memory_space<vmem>> -> memref<2048xf32, #tpu.memory_space<vmem>>
    %dma_wait3A_359 = tpu.memref_slice %arg24[%add3A_188] : memref<640000xf32, #tpu.memory_space<vmem_shared>> -> memref<2048xf32, #tpu.memory_space<vmem_shared>>
    %dma_wait3A_360 = tpu.memref_slice %arg24[%add3A_188] : memref<640000xf32, #tpu.memory_space<vmem_shared>> -> memref<2048xf32, #tpu.memory_space<vmem_shared>>
    %dma_wait3A_361 = arith.constant 0 : i32
    %dma_wait3A_362 = tpu.memref_slice %arg7[%dma_wait3A_361] : memref<2048xf32, #tpu.memory_space<vmem>> -> memref<2048xf32, #tpu.memory_space<vmem>>
    tpu.wait_dma2 semaphore(%arg28 : memref<!tpu.dma_semaphore, #tpu.memory_space<semaphore_mem>>) src(%dma_wait3A_362 : memref<2048xf32, #tpu.memory_space<vmem>>) dst(%dma_wait3A_360 : memref<2048xf32, #tpu.memory_space<vmem_shared>>)
    %dma_wait3A_363 = arith.constant 0 : i32
    %dma_wait3A_364 = tpu.memref_slice %arg7[%dma_wait3A_363] : memref<2048xf32, #tpu.memory_space<vmem>> -> memref<2048xf32, #tpu.memory_space<vmem>>
    %dma_wait3A_365 = tpu.memref_slice %arg24[%add3A_198] : memref<640000xf32, #tpu.memory_space<vmem_shared>> -> memref<2048xf32, #tpu.memory_space<vmem_shared>>
    %dma_wait3A_366 = tpu.memref_slice %arg24[%add3A_198] : memref<640000xf32, #tpu.memory_space<vmem_shared>> -> memref<2048xf32, #tpu.memory_space<vmem_shared>>
    %dma_wait3A_367 = arith.constant 0 : i32
    %dma_wait3A_368 = tpu.memref_slice %arg7[%dma_wait3A_367] : memref<2048xf32, #tpu.memory_space<vmem>> -> memref<2048xf32, #tpu.memory_space<vmem>>
    tpu.wait_dma2 semaphore(%arg28 : memref<!tpu.dma_semaphore, #tpu.memory_space<semaphore_mem>>) src(%dma_wait3A_368 : memref<2048xf32, #tpu.memory_space<vmem>>) dst(%dma_wait3A_366 : memref<2048xf32, #tpu.memory_space<vmem_shared>>)
    %dma_wait3A_369 = arith.constant 0 : i32
    %dma_wait3A_370 = tpu.memref_slice %arg7[%dma_wait3A_369] : memref<2048xf32, #tpu.memory_space<vmem>> -> memref<2048xf32, #tpu.memory_space<vmem>>
    %dma_wait3A_371 = tpu.memref_slice %arg24[%add3A_208] : memref<640000xf32, #tpu.memory_space<vmem_shared>> -> memref<2048xf32, #tpu.memory_space<vmem_shared>>
    %dma_wait3A_372 = tpu.memref_slice %arg24[%add3A_208] : memref<640000xf32, #tpu.memory_space<vmem_shared>> -> memref<2048xf32, #tpu.memory_space<vmem_shared>>
    %dma_wait3A_373 = arith.constant 0 : i32
    %dma_wait3A_374 = tpu.memref_slice %arg7[%dma_wait3A_373] : memref<2048xf32, #tpu.memory_space<vmem>> -> memref<2048xf32, #tpu.memory_space<vmem>>
    tpu.wait_dma2 semaphore(%arg28 : memref<!tpu.dma_semaphore, #tpu.memory_space<semaphore_mem>>) src(%dma_wait3A_374 : memref<2048xf32, #tpu.memory_space<vmem>>) dst(%dma_wait3A_372 : memref<2048xf32, #tpu.memory_space<vmem_shared>>)
    %dma_wait3A_375 = arith.constant 0 : i32
    %dma_wait3A_376 = tpu.memref_slice %arg7[%dma_wait3A_375] : memref<2048xf32, #tpu.memory_space<vmem>> -> memref<2048xf32, #tpu.memory_space<vmem>>
    %dma_wait3A_377 = tpu.memref_slice %arg24[%add3A_218] : memref<640000xf32, #tpu.memory_space<vmem_shared>> -> memref<2048xf32, #tpu.memory_space<vmem_shared>>
    %dma_wait3A_378 = tpu.memref_slice %arg24[%add3A_218] : memref<640000xf32, #tpu.memory_space<vmem_shared>> -> memref<2048xf32, #tpu.memory_space<vmem_shared>>
    %dma_wait3A_379 = arith.constant 0 : i32
    %dma_wait3A_380 = tpu.memref_slice %arg7[%dma_wait3A_379] : memref<2048xf32, #tpu.memory_space<vmem>> -> memref<2048xf32, #tpu.memory_space<vmem>>
    tpu.wait_dma2 semaphore(%arg28 : memref<!tpu.dma_semaphore, #tpu.memory_space<semaphore_mem>>) src(%dma_wait3A_380 : memref<2048xf32, #tpu.memory_space<vmem>>) dst(%dma_wait3A_378 : memref<2048xf32, #tpu.memory_space<vmem_shared>>)
    %dma_wait3A_381 = arith.constant 0 : i32
    %dma_wait3A_382 = tpu.memref_slice %arg7[%dma_wait3A_381] : memref<2048xf32, #tpu.memory_space<vmem>> -> memref<1088xf32, #tpu.memory_space<vmem>>
    %dma_wait3A_383 = tpu.memref_slice %arg24[%add3A_228] : memref<640000xf32, #tpu.memory_space<vmem_shared>> -> memref<1088xf32, #tpu.memory_space<vmem_shared>>
    %dma_wait3A_384 = tpu.memref_slice %arg24[%add3A_228] : memref<640000xf32, #tpu.memory_space<vmem_shared>> -> memref<1088xf32, #tpu.memory_space<vmem_shared>>
    %dma_wait3A_385 = arith.constant 0 : i32
    %dma_wait3A_386 = tpu.memref_slice %arg7[%dma_wait3A_385] : memref<2048xf32, #tpu.memory_space<vmem>> -> memref<1088xf32, #tpu.memory_space<vmem>>
    tpu.wait_dma2 semaphore(%arg28 : memref<!tpu.dma_semaphore, #tpu.memory_space<semaphore_mem>>) src(%dma_wait3A_386 : memref<1088xf32, #tpu.memory_space<vmem>>) dst(%dma_wait3A_384 : memref<1088xf32, #tpu.memory_space<vmem_shared>>)
    %barrier3A_387 = arith.constant 0 : index
    tpu.barrier barrier_id(%barrier3A_387)
    "tpu.region"() ({
      %run_scoped3A = tpu.sem_alloc : memref<!tpu.dma_semaphore, #tpu.memory_space<semaphore_mem>>
      tpu.enqueue_dma source(%arg23 : memref<10240xf32, #tpu.memory_space<vmem_shared>>) target(%arg15 : memref<10240xf32, #tpu.memory_space<vmem>>) target_semaphore(%run_scoped3A : memref<!tpu.dma_semaphore, #tpu.memory_space<semaphore_mem>>)
      tpu.wait_dma2 semaphore(%run_scoped3A : memref<!tpu.dma_semaphore, #tpu.memory_space<semaphore_mem>>) src(%arg23 : memref<10240xf32, #tpu.memory_space<vmem_shared>>) dst(%arg15 : memref<10240xf32, #tpu.memory_space<vmem>>)
      tpu.yield
    }) : () -> ()
    %scan3A_388 = arith.constant 0 : i32
    %scan3A_389 = arith.constant 0 : i32
    %scan3A_390 = arith.constant 125 : i32
    %scan3A_391 = arith.addi %scan3A_389, %scan3A_390 : i32
    %scan3A_392 = arith.constant 1 : i32
    %scan3A_393 = scf.for %scan3A_420 = %scan3A_389 to %scan3A_391 step %scan3A_392 iter_args(%scan3A_421 = %scan3A_388) -> (i32)  : i32 {
      %mul3A_422 = arith.constant 80 : i32
      %mul3A_423 = arith.muli %scan3A_420, %mul3A_422 : i32
      %add3A_424 = arith.constant 0 : i32
      %add3A_425 = arith.addi %mul3A_423, %add3A_424 : i32
      %get3A = arith.index_cast %add3A_425 : i32 to index
      %get3A_426 = tpu.vector_load %arg10[%get3A] {strides = array<i32>} : memref<10000xi32, #tpu.memory_space<vmem>>, vector<16xi32>,
      %get3A_427 = arith.index_cast %add3A_425 : i32 to index
      %get3A_428 = tpu.vector_load %arg11[%get3A_427] {strides = array<i32>} : memref<10000xi32, #tpu.memory_space<vmem>>, vector<16xi32>,
      %gather3A = tpu.vector_load_idx %arg15[%get3A_428] : memref<10240xf32, #tpu.memory_space<vmem>>[vector<16xi32>], vector<16xf32>,
      %gather3A_429 = tpu.vector_load_idx %arg15[%get3A_426] : memref<10240xf32, #tpu.memory_space<vmem>>[vector<16xi32>], vector<16xf32>,
      %mul3A_430 = arith.mulf %gather3A_429, %gather3A : vector<16xf32>
      %swap3A = arith.index_cast %add3A_425 : i32 to index
      %swap3A_431 = tpu.vector_load %arg17[%swap3A] {strides = array<i32>} : memref<10000xf32, #tpu.memory_space<vmem>>, vector<16xf32>,
      tpu.vector_store %arg17[%swap3A], %mul3A_430 {strides = array<i32>} : memref<10000xf32, #tpu.memory_space<vmem>>, vector<16xf32>,
      %mul3A_432 = arith.constant 80 : i32
      %mul3A_433 = arith.muli %scan3A_420, %mul3A_432 : i32
      %add3A_434 = arith.constant 16 : i32
      %add3A_435 = arith.addi %mul3A_433, %add3A_434 : i32
      %get3A_436 = arith.index_cast %add3A_435 : i32 to index
      %get3A_437 = tpu.vector_load %arg10[%get3A_436] {strides = array<i32>} : memref<10000xi32, #tpu.memory_space<vmem>>, vector<16xi32>,
      %get3A_438 = arith.index_cast %add3A_435 : i32 to index
      %get3A_439 = tpu.vector_load %arg11[%get3A_438] {strides = array<i32>} : memref<10000xi32, #tpu.memory_space<vmem>>, vector<16xi32>,
      %gather3A_440 = tpu.vector_load_idx %arg15[%get3A_439] : memref<10240xf32, #tpu.memory_space<vmem>>[vector<16xi32>], vector<16xf32>,
      %gather3A_441 = tpu.vector_load_idx %arg15[%get3A_437] : memref<10240xf32, #tpu.memory_space<vmem>>[vector<16xi32>], vector<16xf32>,
      %mul3A_442 = arith.mulf %gather3A_441, %gather3A_440 : vector<16xf32>
      %swap3A_443 = arith.index_cast %add3A_435 : i32 to index
      %swap3A_444 = tpu.vector_load %arg17[%swap3A_443] {strides = array<i32>} : memref<10000xf32, #tpu.memory_space<vmem>>, vector<16xf32>,
      tpu.vector_store %arg17[%swap3A_443], %mul3A_442 {strides = array<i32>} : memref<10000xf32, #tpu.memory_space<vmem>>, vector<16xf32>,
      %mul3A_445 = arith.constant 80 : i32
      %mul3A_446 = arith.muli %scan3A_420, %mul3A_445 : i32
      %add3A_447 = arith.constant 32 : i32
      %add3A_448 = arith.addi %mul3A_446, %add3A_447 : i32
      %get3A_449 = arith.index_cast %add3A_448 : i32 to index
      %get3A_450 = tpu.vector_load %arg10[%get3A_449] {strides = array<i32>} : memref<10000xi32, #tpu.memory_space<vmem>>, vector<16xi32>,
      %get3A_451 = arith.index_cast %add3A_448 : i32 to index
      %get3A_452 = tpu.vector_load %arg11[%get3A_451] {strides = array<i32>} : memref<10000xi32, #tpu.memory_space<vmem>>, vector<16xi32>,
      %gather3A_453 = tpu.vector_load_idx %arg15[%get3A_452] : memref<10240xf32, #tpu.memory_space<vmem>>[vector<16xi32>], vector<16xf32>,
      %gather3A_454 = tpu.vector_load_idx %arg15[%get3A_450] : memref<10240xf32, #tpu.memory_space<vmem>>[vector<16xi32>], vector<16xf32>,
      %mul3A_455 = arith.mulf %gather3A_454, %gather3A_453 : vector<16xf32>
      %swap3A_456 = arith.index_cast %add3A_448 : i32 to index
      %swap3A_457 = tpu.vector_load %arg17[%swap3A_456] {strides = array<i32>} : memref<10000xf32, #tpu.memory_space<vmem>>, vector<16xf32>,
      tpu.vector_store %arg17[%swap3A_456], %mul3A_455 {strides = array<i32>} : memref<10000xf32, #tpu.memory_space<vmem>>, vector<16xf32>,
      %mul3A_458 = arith.constant 80 : i32
      %mul3A_459 = arith.muli %scan3A_420, %mul3A_458 : i32
      %add3A_460 = arith.constant 48 : i32
      %add3A_461 = arith.addi %mul3A_459, %add3A_460 : i32
      %get3A_462 = arith.index_cast %add3A_461 : i32 to index
      %get3A_463 = tpu.vector_load %arg10[%get3A_462] {strides = array<i32>} : memref<10000xi32, #tpu.memory_space<vmem>>, vector<16xi32>,
      %get3A_464 = arith.index_cast %add3A_461 : i32 to index
      %get3A_465 = tpu.vector_load %arg11[%get3A_464] {strides = array<i32>} : memref<10000xi32, #tpu.memory_space<vmem>>, vector<16xi32>,
      %gather3A_466 = tpu.vector_load_idx %arg15[%get3A_465] : memref<10240xf32, #tpu.memory_space<vmem>>[vector<16xi32>], vector<16xf32>,
      %gather3A_467 = tpu.vector_load_idx %arg15[%get3A_463] : memref<10240xf32, #tpu.memory_space<vmem>>[vector<16xi32>], vector<16xf32>,
      %mul3A_468 = arith.mulf %gather3A_467, %gather3A_466 : vector<16xf32>
      %swap3A_469 = arith.index_cast %add3A_461 : i32 to index
      %swap3A_470 = tpu.vector_load %arg17[%swap3A_469] {strides = array<i32>} : memref<10000xf32, #tpu.memory_space<vmem>>, vector<16xf32>,
      tpu.vector_store %arg17[%swap3A_469], %mul3A_468 {strides = array<i32>} : memref<10000xf32, #tpu.memory_space<vmem>>, vector<16xf32>,
      %mul3A_471 = arith.constant 80 : i32
      %mul3A_472 = arith.muli %scan3A_420, %mul3A_471 : i32
      %add3A_473 = arith.constant 64 : i32
      %add3A_474 = arith.addi %mul3A_472, %add3A_473 : i32
      %get3A_475 = arith.index_cast %add3A_474 : i32 to index
      %get3A_476 = tpu.vector_load %arg10[%get3A_475] {strides = array<i32>} : memref<10000xi32, #tpu.memory_space<vmem>>, vector<16xi32>,
      %get3A_477 = arith.index_cast %add3A_474 : i32 to index
      %get3A_478 = tpu.vector_load %arg11[%get3A_477] {strides = array<i32>} : memref<10000xi32, #tpu.memory_space<vmem>>, vector<16xi32>,
      %gather3A_479 = tpu.vector_load_idx %arg15[%get3A_478] : memref<10240xf32, #tpu.memory_space<vmem>>[vector<16xi32>], vector<16xf32>,
      %gather3A_480 = tpu.vector_load_idx %arg15[%get3A_476] : memref<10240xf32, #tpu.memory_space<vmem>>[vector<16xi32>], vector<16xf32>,
      %mul3A_481 = arith.mulf %gather3A_480, %gather3A_479 : vector<16xf32>
      %swap3A_482 = arith.index_cast %add3A_474 : i32 to index
      %swap3A_483 = tpu.vector_load %arg17[%swap3A_482] {strides = array<i32>} : memref<10000xf32, #tpu.memory_space<vmem>>, vector<16xf32>,
      tpu.vector_store %arg17[%swap3A_482], %mul3A_481 {strides = array<i32>} : memref<10000xf32, #tpu.memory_space<vmem>>, vector<16xf32>,
      %scan3A_484 = arith.constant 0 : i32
      scf.yield %scan3A_484 : i32
    }
    %scan3A_394 = arith.constant 125 : i32
    %dma_start3A_395 = arith.constant 0 : i32
    %dma_start3A_396 = tpu.memref_slice %arg24[%dma_start3A_395] : memref<640000xf32, #tpu.memory_space<vmem_shared>> -> memref<640000xf32, #tpu.memory_space<vmem_shared>>
    tpu.enqueue_indirect_dma source(%arg17 : memref<10000xf32, #tpu.memory_space<vmem>>) target(%dma_start3A_396 : memref<640000xf32, #tpu.memory_space<vmem_shared>>) offsets(%arg16 : memref<10000xi32, #tpu.memory_space<vmem>>) semaphore(%arg26 : memref<!tpu.dma_semaphore, #tpu.memory_space<semaphore_mem>>) {add = true}
    %eq3A_397 = arith.constant 0 : i32
    %eq3A_398 = arith.cmpi eq, %arg0, %eq3A_397 : i32
    %convert_element_type3A_399 = arith.extui %eq3A_398 : i1 to i32
    %cond3A_400 = arith.constant 0 : i32
    %cond3A_401 = arith.cmpi ne, %convert_element_type3A_399, %cond3A_400 : i32
    scf.if %cond3A_401 {
      %scan3A_420 = arith.constant 0 : i32
      %scan3A_421 = arith.constant 0 : i32
      %scan3A_422 = arith.constant 40 : i32
      %scan3A_423 = arith.addi %scan3A_421, %scan3A_422 : i32
      %scan3A_424 = arith.constant 1 : i32
      %scan3A_425 = scf.for %scan3A_435 = %scan3A_421 to %scan3A_423 step %scan3A_424 iter_args(%scan3A_436 = %scan3A_420) -> (i32)  : i32 {
        %mul3A_437 = arith.constant 640 : i32
        %mul3A_438 = arith.muli %arg1, %mul3A_437 : i32
        %mul3A_439 = arith.constant 16 : i32
        %mul3A_440 = arith.muli %scan3A_435, %mul3A_439 : i32
        %add3A_441 = arith.addi %mul3A_438, %mul3A_440 : i32
        %iota3A = tpu.iota {dimensions = array<i32: 0>} : vector<16xi32>
        %add3A_442 = vector.broadcast %add3A_441 : i32 to vector<16xi32>
        %add3A_443 = arith.addi %add3A_442, %iota3A : vector<16xi32>
        %mul3A_444 = arith.constant 640 : i32
        %mul3A_445 = arith.muli %arg1, %mul3A_444 : i32
        %mul3A_446 = arith.constant 16 : i32
        %mul3A_447 = arith.muli %scan3A_435, %mul3A_446 : i32
        %add3A_448 = arith.addi %mul3A_445, %mul3A_447 : i32
        %get3A = arith.index_cast %add3A_448 : i32 to index
        %get3A_449 = tpu.vector_load %arg14[%get3A] {strides = array<i32>} : memref<10240xi32, #tpu.memory_space<vmem>>, vector<16xi32>,
        %mul3A_450 = arith.constant 16 : i32
        %mul3A_451 = arith.muli %scan3A_435, %mul3A_450 : i32
        %get3A_452 = arith.index_cast %mul3A_451 : i32 to index
        %get3A_453 = tpu.vector_load %arg13[%get3A_452] {strides = array<i32>} : memref<640xf32, #tpu.memory_space<vmem>>, vector<16xf32>,
        %lt3A = arith.constant 10000 : i32
        %lt3A_454 = vector.broadcast %lt3A : i32 to vector<16xi32>
        %lt3A_455 = arith.cmpi slt, %add3A_443, %lt3A_454 : vector<16xi32>
        %lt3A_456 = arith.constant 5000 : i32
        %lt3A_457 = vector.broadcast %lt3A_456 : i32 to vector<16xi32>
        %lt3A_458 = arith.cmpi slt, %add3A_443, %lt3A_457 : vector<16xi32>
        %jit3A = arith.constant 0 : i32
        %jit3A_459 = arith.constant 5000 : i32
        %broadcast_in_dim3A = vector.broadcast %jit3A : i32 to vector<16xi32>
        %broadcast_in_dim3A_460 = vector.broadcast %jit3A_459 : i32 to vector<16xi32>
        %select_n3A = arith.select %lt3A_458, %broadcast_in_dim3A, %broadcast_in_dim3A_460 : vector<16xi1>, vector<16xi32>
        %sub3A_461 = arith.subi %add3A_443, %select_n3A : vector<16xi32>
        %shift_left3A = arith.constant 7 : i32
        %shift_left3A_462 = vector.broadcast %shift_left3A : i32 to vector<16xi32>
        %shift_left3A_463 = arith.shli %sub3A_461, %shift_left3A_462 : vector<16xi32>
        %jit3A_464 = arith.constant 0 : i32
        %jit3A_465 = arith.constant 64 : i32
        %broadcast_in_dim3A_466 = vector.broadcast %jit3A_464 : i32 to vector<16xi32>
        %broadcast_in_dim3A_467 = vector.broadcast %jit3A_465 : i32 to vector<16xi32>
        %select_n3A_468 = arith.select %lt3A_458, %broadcast_in_dim3A_466, %broadcast_in_dim3A_467 : vector<16xi1>, vector<16xi32>
        %add3A_469 = arith.addi %shift_left3A_463, %select_n3A_468 : vector<16xi32>
        %add3A_470 = arith.addi %add3A_469, %get3A_449 : vector<16xi32>
        %jit3A_471 = arith.constant 0 : i32
        %broadcast_in_dim3A_472 = vector.broadcast %jit3A_471 : i32 to vector<16xi32>
        %select_n3A_473 = arith.select %lt3A_455, %add3A_470, %broadcast_in_dim3A_472 : vector<16xi1>, vector<16xi32>
        %mul3A_474 = arith.constant 16 : i32
        %mul3A_475 = arith.muli %scan3A_435, %mul3A_474 : i32
        %swap3A = arith.index_cast %mul3A_475 : i32 to index
        %swap3A_476 = tpu.vector_load %arg18[%swap3A] {strides = array<i32>} : memref<640xi32, #tpu.memory_space<vmem>>, vector<16xi32>,
        tpu.vector_store %arg18[%swap3A], %select_n3A_473 {strides = array<i32>} : memref<640xi32, #tpu.memory_space<vmem>>, vector<16xi32>,
        %mul3A_477 = arith.mulf %get3A_453, %get3A_453 : vector<16xf32>
        %mul3A_478 = arith.constant 16 : i32
        %mul3A_479 = arith.muli %scan3A_435, %mul3A_478 : i32
        %swap3A_480 = arith.index_cast %mul3A_479 : i32 to index
        %swap3A_481 = tpu.vector_load %arg19[%swap3A_480] {strides = array<i32>} : memref<640xf32, #tpu.memory_space<vmem>>, vector<16xf32>,
        tpu.vector_store %arg19[%swap3A_480], %mul3A_477 {strides = array<i32>} : memref<640xf32, #tpu.memory_space<vmem>>, vector<16xf32>,
        %mul3A_482 = arith.constant 16 : i32
        %mul3A_483 = arith.muli %scan3A_435, %mul3A_482 : i32
        %swap3A_484 = arith.index_cast %mul3A_483 : i32 to index
        %swap3A_485 = tpu.vector_load %arg20[%swap3A_484] {strides = array<i32>} : memref<640xi32, #tpu.memory_space<vmem>>, vector<16xi32>,
        tpu.vector_store %arg20[%swap3A_484], %get3A_449 {strides = array<i32>} : memref<640xi32, #tpu.memory_space<vmem>>, vector<16xi32>,
        %jit3A_486 = arith.constant 1.000000e+00 : f32
        %jit3A_487 = arith.constant 0.000000e+00 : f32
        %broadcast_in_dim3A_488 = vector.broadcast %jit3A_486 : f32 to vector<16xf32>
        %broadcast_in_dim3A_489 = vector.broadcast %jit3A_487 : f32 to vector<16xf32>
        %select_n3A_490 = arith.select %lt3A_455, %broadcast_in_dim3A_488, %broadcast_in_dim3A_489 : vector<16xi1>, vector<16xf32>
        %mul3A_491 = arith.constant 16 : i32
        %mul3A_492 = arith.muli %scan3A_435, %mul3A_491 : i32
        %swap3A_493 = arith.index_cast %mul3A_492 : i32 to index
        %swap3A_494 = tpu.vector_load %arg21[%swap3A_493] {strides = array<i32>} : memref<640xf32, #tpu.memory_space<vmem>>, vector<16xf32>,
        tpu.vector_store %arg21[%swap3A_493], %select_n3A_490 {strides = array<i32>} : memref<640xf32, #tpu.memory_space<vmem>>, vector<16xf32>,
        %scan3A_495 = arith.constant 0 : i32
        scf.yield %scan3A_495 : i32
      }
      %scan3A_426 = arith.constant 40 : i32
      %dma_start3A_427 = arith.constant 0 : i32
      %dma_start3A_428 = tpu.memref_slice %arg24[%dma_start3A_427] : memref<640000xf32, #tpu.memory_space<vmem_shared>> -> memref<640000xf32, #tpu.memory_space<vmem_shared>>
      tpu.enqueue_indirect_dma source(%arg19 : memref<640xf32, #tpu.memory_space<vmem>>) target(%dma_start3A_428 : memref<640000xf32, #tpu.memory_space<vmem_shared>>) offsets(%arg18 : memref<640xi32, #tpu.memory_space<vmem>>) semaphore(%arg28 : memref<!tpu.dma_semaphore, #tpu.memory_space<semaphore_mem>>) {add = true}
      %dma_wait3A_429 = arith.constant 0 : i32
      %dma_wait3A_430 = tpu.memref_slice %arg24[%dma_wait3A_429] : memref<640000xf32, #tpu.memory_space<vmem_shared>> -> memref<640000xf32, #tpu.memory_space<vmem_shared>>
      tpu.wait_indirect_dma semaphore(%arg28 : memref<!tpu.dma_semaphore, #tpu.memory_space<semaphore_mem>>) src(%arg19 : memref<640xf32, #tpu.memory_space<vmem>>) dst(%dma_wait3A_430 : memref<640000xf32, #tpu.memory_space<vmem_shared>>)
      %dma_start3A_431 = arith.constant 0 : i32
      %dma_start3A_432 = tpu.memref_slice %arg25[%dma_start3A_431] : memref<64xf32, #tpu.memory_space<vmem_shared>> -> memref<64xf32, #tpu.memory_space<vmem_shared>>
      tpu.enqueue_indirect_dma source(%arg21 : memref<640xf32, #tpu.memory_space<vmem>>) target(%dma_start3A_432 : memref<64xf32, #tpu.memory_space<vmem_shared>>) offsets(%arg20 : memref<640xi32, #tpu.memory_space<vmem>>) semaphore(%arg28 : memref<!tpu.dma_semaphore, #tpu.memory_space<semaphore_mem>>) {add = true}
      %dma_wait3A_433 = arith.constant 0 : i32
      %dma_wait3A_434 = tpu.memref_slice %arg25[%dma_wait3A_433] : memref<64xf32, #tpu.memory_space<vmem_shared>> -> memref<64xf32, #tpu.memory_space<vmem_shared>>
      tpu.wait_indirect_dma semaphore(%arg28 : memref<!tpu.dma_semaphore, #tpu.memory_space<semaphore_mem>>) src(%arg21 : memref<640xf32, #tpu.memory_space<vmem>>) dst(%dma_wait3A_434 : memref<64xf32, #tpu.memory_space<vmem_shared>>)
    } else {
    }
    %dma_wait3A_402 = arith.constant 0 : i32
    %dma_wait3A_403 = tpu.memref_slice %arg24[%dma_wait3A_402] : memref<640000xf32, #tpu.memory_space<vmem_shared>> -> memref<640000xf32, #tpu.memory_space<vmem_shared>>
    tpu.wait_indirect_dma semaphore(%arg26 : memref<!tpu.dma_semaphore, #tpu.memory_space<semaphore_mem>>) src(%arg17 : memref<10000xf32, #tpu.memory_space<vmem>>) dst(%dma_wait3A_403 : memref<640000xf32, #tpu.memory_space<vmem_shared>>)
    %barrier3A_404 = arith.constant 0 : index
    tpu.barrier barrier_id(%barrier3A_404)
    %mul3A_405 = arith.constant 40000 : i32
    %mul3A_406 = arith.muli %arg1, %mul3A_405 : i32
    %mul3A_407 = arith.constant 16 : i32
    %mul3A_408 = arith.muli %arg0, %mul3A_407 : i32
    %add3A_409 = arith.addi %mul3A_408, %arg1 : i32
    %mul3A_410 = arith.constant 40000 : i32
    %mul3A_411 = arith.muli %add3A_409, %mul3A_410 : i32
    "tpu.region"() ({
      %run_scoped3A = tpu.sem_alloc : memref<!tpu.dma_semaphore, #tpu.memory_space<semaphore_mem>>
      %dma_start3A_420 = tpu.memref_slice %arg5[%mul3A_411] : memref<1280000xf32, #tpu.memory_space<hbm>> -> memref<40000xf32, #tpu.memory_space<hbm>>
      %dma_start3A_421 = tpu.memref_slice %arg24[%mul3A_406] : memref<640000xf32, #tpu.memory_space<vmem_shared>> -> memref<40000xf32, #tpu.memory_space<vmem_shared>>
      tpu.enqueue_dma source(%dma_start3A_421 : memref<40000xf32, #tpu.memory_space<vmem_shared>>) target(%dma_start3A_420 : memref<40000xf32, #tpu.memory_space<hbm>>) target_semaphore(%run_scoped3A : memref<!tpu.dma_semaphore, #tpu.memory_space<semaphore_mem>>)
      %dma_wait3A_422 = tpu.memref_slice %arg5[%mul3A_411] : memref<1280000xf32, #tpu.memory_space<hbm>> -> memref<40000xf32, #tpu.memory_space<hbm>>
      %dma_wait3A_423 = tpu.memref_slice %arg24[%mul3A_406] : memref<640000xf32, #tpu.memory_space<vmem_shared>> -> memref<40000xf32, #tpu.memory_space<vmem_shared>>
      tpu.wait_dma2 semaphore(%run_scoped3A : memref<!tpu.dma_semaphore, #tpu.memory_space<semaphore_mem>>) src(%dma_wait3A_423 : memref<40000xf32, #tpu.memory_space<vmem_shared>>) dst(%dma_wait3A_422 : memref<40000xf32, #tpu.memory_space<hbm>>)
      tpu.yield
    }) : () -> ()
    %eq3A_412 = arith.constant 0 : i32
    %eq3A_413 = arith.cmpi eq, %arg0, %eq3A_412 : i32
    %eq3A_414 = arith.constant 0 : i32
    %eq3A_415 = arith.cmpi eq, %arg1, %eq3A_414 : i32
    %and3A_416 = arith.andi %eq3A_413, %eq3A_415 : i1
    %convert_element_type3A_417 = arith.extui %and3A_416 : i1 to i32
    %cond3A_418 = arith.constant 0 : i32
    %cond3A_419 = arith.cmpi ne, %convert_element_type3A_417, %cond3A_418 : i32
    scf.if %cond3A_419 {
      "tpu.region"() ({
        %run_scoped3A = tpu.sem_alloc : memref<!tpu.dma_semaphore, #tpu.memory_space<semaphore_mem>>
        tpu.enqueue_dma source(%arg25 : memref<64xf32, #tpu.memory_space<vmem_shared>>) target(%arg6 : memref<64xf32, #tpu.memory_space<hbm>>) target_semaphore(%run_scoped3A : memref<!tpu.dma_semaphore, #tpu.memory_space<semaphore_mem>>)
        tpu.wait_dma2 semaphore(%run_scoped3A : memref<!tpu.dma_semaphore, #tpu.memory_space<semaphore_mem>>) src(%arg25 : memref<64xf32, #tpu.memory_space<vmem_shared>>) dst(%arg6 : memref<64xf32, #tpu.memory_space<hbm>>)
        tpu.yield
      }) : () -> ()
    } else {
    }
    return
  }
}

module attributes {stable_mosaic.version = 14 : i64} {
  func.func @_tc_body(%arg0: i32, %arg1: memref<5000x128xf32, #tpu.memory_space<vmem>>, %arg2: memref<5000x128xf32, #tpu.memory_space<vmem>>, %arg3: memref<2x5000x128xf32, #tpu.memory_space<vmem>>, %arg4: memref<128x128xf32, #tpu.memory_space<vmem>>, %arg5: memref<64x1xf32, #tpu.memory_space<vmem>>, %arg6: memref<1x128xf32, #tpu.memory_space<vmem>>, %arg7: memref<128x128xf32, #tpu.memory_space<vmem>>, %arg8: memref<1x128xf32, #tpu.memory_space<vmem>>, %arg9: memref<64x128xf32, #tpu.memory_space<vmem>>, %arg10: memref<64x128xf32, #tpu.memory_space<vmem>>) attributes {dimension_semantics = [#tpu.dimension_semantics<arbitrary>], iteration_bounds = array<i64: 1>, scalar_prefetch = 0 : i64, scratch_operands = 1 : i64, tpu.core_type = #tpu.core_type<tc>, window_params = [{transform_indices = @transform_0, window_bounds = array<i64: 5000, 128>}, {transform_indices = @transform_1, window_bounds = array<i64: 5000, 128>}, {transform_indices = @transform_2, window_bounds = array<i64: 2, 5000, 128>}, {pipeline_mode = #tpu.pipeline_mode<synchronous>, transform_indices = @transform_3, window_bounds = array<i64: 128, 128>}, {pipeline_mode = #tpu.pipeline_mode<synchronous>, transform_indices = @transform_4, window_bounds = array<i64: 64, 1>}, {pipeline_mode = #tpu.pipeline_mode<synchronous>, transform_indices = @transform_5, window_bounds = array<i64: 1, 128>}, {pipeline_mode = #tpu.pipeline_mode<synchronous>, transform_indices = @transform_6, window_bounds = array<i64: 128, 128>}, {pipeline_mode = #tpu.pipeline_mode<synchronous>, transform_indices = @transform_7, window_bounds = array<i64: 1, 128>}, {pipeline_mode = #tpu.pipeline_mode<synchronous>, transform_indices = @transform_8, window_bounds = array<i64: 64, 128>}]} {
    %eq3A = arith.constant 0 : i32
    %eq3A_0 = arith.cmpi eq, %arg0, %eq3A : i32
    %convert_element_type3A = arith.extui %eq3A_0 : i1 to i32
    %cond3A = arith.constant 0 : i32
    %cond3A_1 = arith.cmpi ne, %convert_element_type3A, %cond3A : i32
    scf.if %cond3A_1 {
      %broadcast_in_dim3A = arith.constant 0.000000e+00 : f32
      %broadcast_in_dim3A_33 = vector.broadcast %broadcast_in_dim3A : f32 to vector<64x128xf32>
      %swap3A_34 = arith.constant 0 : index
      %swap3A_35 = arith.constant 0 : index
      %swap3A_36 = vector.load %arg10[%swap3A_34, %swap3A_35] : memref<64x128xf32, #tpu.memory_space<vmem>>, vector<64x128xf32>
      tpu.vector_store %arg10[%swap3A_34, %swap3A_35], %broadcast_in_dim3A_33 {strides = array<i32>} : memref<64x128xf32, #tpu.memory_space<vmem>>, vector<64x128xf32>,
    } else {
    }
    %get3A = arith.constant 0 : index
    %get3A_2 = arith.constant 0 : index
    %get3A_3 = arith.constant 0 : index
    %get3A_4 = vector.load %arg3[%get3A, %get3A_2, %get3A_3] : memref<2x5000x128xf32, #tpu.memory_space<vmem>>, vector<1x5000x128xf32>
    %get3A_5 = vector.shape_cast %get3A_4 : vector<1x5000x128xf32> to vector<5000x128xf32>
    %get3A_6 = arith.constant 1 : index
    %get3A_7 = arith.constant 0 : index
    %get3A_8 = arith.constant 0 : index
    %get3A_9 = vector.load %arg3[%get3A_6, %get3A_7, %get3A_8] : memref<2x5000x128xf32, #tpu.memory_space<vmem>>, vector<1x5000x128xf32>
    %get3A_10 = vector.shape_cast %get3A_9 : vector<1x5000x128xf32> to vector<5000x128xf32>
    %add3A = arith.addf %get3A_5, %get3A_10 : vector<5000x128xf32>
    %get3A_11 = arith.constant 0 : index
    %get3A_12 = arith.constant 0 : index
    %get3A_13 = vector.load %arg10[%get3A_11, %get3A_12] : memref<64x128xf32, #tpu.memory_space<vmem>>, vector<64x128xf32>
    %slice3A = vector.extract_strided_slice %add3A {offsets = [0, 0], sizes = [5000, 64], strides = [1, 1]} : vector<5000x128xf32> to vector<5000x64xf32>
    %get3A_14 = arith.constant 0 : index
    %get3A_15 = arith.constant 0 : index
    %get3A_16 = vector.load %arg1[%get3A_14, %get3A_15] : memref<5000x128xf32, #tpu.memory_space<vmem>>, vector<5000x128xf32>
    %dot_general3A = arith.constant dense<0.000000e+00> : vector<64x128xf32>
    %dot_general3A_17 = tpu.matmul %slice3A, %get3A_16, %dot_general3A {dimension_numbers = #tpu.dot_dimension_numbers<[0], [0], [1], [1], [0, 1, 1, 1], [], []>, transpose_lhs_hint = false} : vector<5000x64xf32>, vector<5000x128xf32>, vector<64x128xf32> -> vector<64x128xf32>
    %slice3A_18 = vector.extract_strided_slice %add3A {offsets = [0, 64], sizes = [5000, 64], strides = [1, 1]} : vector<5000x128xf32> to vector<5000x64xf32>
    %get3A_19 = arith.constant 0 : index
    %get3A_20 = arith.constant 0 : index
    %get3A_21 = vector.load %arg2[%get3A_19, %get3A_20] : memref<5000x128xf32, #tpu.memory_space<vmem>>, vector<5000x128xf32>
    %dot_general3A_22 = arith.constant dense<0.000000e+00> : vector<64x128xf32>
    %dot_general3A_23 = tpu.matmul %slice3A_18, %get3A_21, %dot_general3A_22 {dimension_numbers = #tpu.dot_dimension_numbers<[0], [0], [1], [1], [0, 1, 1, 1], [], []>, transpose_lhs_hint = false} : vector<5000x64xf32>, vector<5000x128xf32>, vector<64x128xf32> -> vector<64x128xf32>
    %add3A_24 = arith.addf %dot_general3A_17, %dot_general3A_23 : vector<64x128xf32>
    %add3A_25 = arith.addf %get3A_13, %add3A_24 : vector<64x128xf32>
    %swap3A = arith.constant 0 : index
    %swap3A_26 = arith.constant 0 : index
    %swap3A_27 = vector.load %arg10[%swap3A, %swap3A_26] : memref<64x128xf32, #tpu.memory_space<vmem>>, vector<64x128xf32>
    tpu.vector_store %arg10[%swap3A, %swap3A_26], %add3A_25 {strides = array<i32>} : memref<64x128xf32, #tpu.memory_space<vmem>>, vector<64x128xf32>,
    %eq3A_28 = arith.constant 0 : i32
    %eq3A_29 = arith.cmpi eq, %arg0, %eq3A_28 : i32
    %convert_element_type3A_30 = arith.extui %eq3A_29 : i1 to i32
    %cond3A_31 = arith.constant 0 : i32
    %cond3A_32 = arith.cmpi ne, %convert_element_type3A_30, %cond3A_31 : i32
    scf.if %cond3A_32 {
      %get3A_33 = arith.constant 0 : index
      %get3A_34 = arith.constant 0 : index
      %get3A_35 = vector.load %arg10[%get3A_33, %get3A_34] : memref<64x128xf32, #tpu.memory_space<vmem>>, vector<64x128xf32>
      %get3A_36 = arith.constant 0 : index
      %get3A_37 = arith.constant 0 : index
      %get3A_38 = vector.load %arg4[%get3A_36, %get3A_37] : memref<128x128xf32, #tpu.memory_space<vmem>>, vector<128x128xf32>
      %dot_general3A_39 = arith.constant dense<0.000000e+00> : vector<64x128xf32>
      %dot_general3A_40 = tpu.matmul %get3A_35, %get3A_38, %dot_general3A_39 {dimension_numbers = #tpu.dot_dimension_numbers<[1], [0], [0], [1], [0, 0, 1, 1], [], []>, transpose_lhs_hint = false} : vector<64x128xf32>, vector<128x128xf32>, vector<64x128xf32> -> vector<64x128xf32>
      %get3A_41 = arith.constant 0 : index
      %get3A_42 = arith.constant 0 : index
      %get3A_43 = vector.load %arg5[%get3A_41, %get3A_42] : memref<64x1xf32, #tpu.memory_space<vmem>>, vector<64x1xf32>
      %get3A_44 = arith.constant 0 : index
      %get3A_45 = arith.constant 0 : index
      %get3A_46 = vector.load %arg6[%get3A_44, %get3A_45] : memref<1x128xf32, #tpu.memory_space<vmem>>, vector<1x128xf32>
      %mul3A = vector.broadcast %get3A_43 : vector<64x1xf32> to vector<64x128xf32>
      %mul3A_47 = vector.broadcast %get3A_46 : vector<1x128xf32> to vector<64x128xf32>
      %mul3A_48 = arith.mulf %mul3A, %mul3A_47 : vector<64x128xf32>
      %add3A_49 = arith.addf %dot_general3A_40, %mul3A_48 : vector<64x128xf32>
      %get3A_50 = arith.constant 0 : index
      %get3A_51 = arith.constant 0 : index
      %get3A_52 = vector.load %arg7[%get3A_50, %get3A_51] : memref<128x128xf32, #tpu.memory_space<vmem>>, vector<128x128xf32>
      %dot_general3A_53 = arith.constant dense<0.000000e+00> : vector<64x128xf32>
      %dot_general3A_54 = tpu.matmul %add3A_49, %get3A_52, %dot_general3A_53 {dimension_numbers = #tpu.dot_dimension_numbers<[1], [0], [0], [1], [0, 0, 1, 1], [], []>, transpose_lhs_hint = false} : vector<64x128xf32>, vector<128x128xf32>, vector<64x128xf32> -> vector<64x128xf32>
      %get3A_55 = arith.constant 0 : index
      %get3A_56 = arith.constant 0 : index
      %get3A_57 = vector.load %arg8[%get3A_55, %get3A_56] : memref<1x128xf32, #tpu.memory_space<vmem>>, vector<1x128xf32>
      %add3A_58 = vector.broadcast %get3A_57 : vector<1x128xf32> to vector<64x128xf32>
      %add3A_59 = arith.addf %dot_general3A_54, %add3A_58 : vector<64x128xf32>
      %swap3A_60 = arith.constant 0 : index
      %swap3A_61 = arith.constant 0 : index
      %swap3A_62 = vector.load %arg9[%swap3A_60, %swap3A_61] : memref<64x128xf32, #tpu.memory_space<vmem>>, vector<64x128xf32>
      tpu.vector_store %arg9[%swap3A_60, %swap3A_61], %add3A_59 {strides = array<i32>} : memref<64x128xf32, #tpu.memory_space<vmem>>, vector<64x128xf32>,
    } else {
    }
    return
  }
  func.func @transform_0(%arg0: i32) -> (i32, i32) {
    %c0_i32 = arith.constant 0 : i32
    %c0_i32_0 = arith.constant 0 : i32
    return %arg0, %c0_i32 : i32, i32
  }
  func.func @transform_1(%arg0: i32) -> (i32, i32) {
    %add3A = arith.constant 1 : i32
    %add3A_0 = arith.addi %arg0, %add3A : i32
    %c0_i32 = arith.constant 0 : i32
    %c0_i32_1 = arith.constant 0 : i32
    return %add3A_0, %c0_i32 : i32, i32
  }
  func.func @transform_2(%arg0: i32) -> (i32, i32, i32) {
    %c0_i32 = arith.constant 0 : i32
    %c0_i32_0 = arith.constant 0 : i32
    %c0_i32_1 = arith.constant 0 : i32
    return %c0_i32, %arg0, %c0_i32_0 : i32, i32, i32
  }
  func.func @transform_3(%arg0: i32) -> (i32, i32) {
    %c0_i32 = arith.constant 0 : i32
    %c0_i32_0 = arith.constant 0 : i32
    %c0_i32_1 = arith.constant 0 : i32
    return %c0_i32, %c0_i32_0 : i32, i32
  }
  func.func @transform_4(%arg0: i32) -> (i32, i32) {
    %c0_i32 = arith.constant 0 : i32
    %c0_i32_0 = arith.constant 0 : i32
    %c0_i32_1 = arith.constant 0 : i32
    return %c0_i32, %c0_i32_0 : i32, i32
  }
  func.func @transform_5(%arg0: i32) -> (i32, i32) {
    %c0_i32 = arith.constant 0 : i32
    %c0_i32_0 = arith.constant 0 : i32
    %c0_i32_1 = arith.constant 0 : i32
    return %c0_i32, %c0_i32_0 : i32, i32
  }
  func.func @transform_6(%arg0: i32) -> (i32, i32) {
    %c0_i32 = arith.constant 0 : i32
    %c0_i32_0 = arith.constant 0 : i32
    %c0_i32_1 = arith.constant 0 : i32
    return %c0_i32, %c0_i32_0 : i32, i32
  }
  func.func @transform_7(%arg0: i32) -> (i32, i32) {
    %c0_i32 = arith.constant 0 : i32
    %c0_i32_0 = arith.constant 0 : i32
    %c0_i32_1 = arith.constant 0 : i32
    return %c0_i32, %c0_i32_0 : i32, i32
  }
  func.func @transform_8(%arg0: i32) -> (i32, i32) {
    %c0_i32 = arith.constant 0 : i32
    %c0_i32_0 = arith.constant 0 : i32
    %c0_i32_1 = arith.constant 0 : i32
    return %c0_i32, %c0_i32_0 : i32, i32
  }
}

</mosaic_0001>

<sc_bundles>
// kernel: kernel.4.cloned.1.call-start
scs
__scs_entry_jumppad:
0x0: {  	(pc) =	sbr.rel $0x88, $3  }
0x1: {  	(tag) =	ssettag $0x0;
	lr =	simm.s32 $0x1  }
0x2: {  	[smem:$0x3F9A] =	sst lr;
	_ =	strace $0xD0000000  }
0x3: {  	_ = 	snop  }
0x4: {  	_ = 	snop  }
0x5: {  	_ = 	snop  }
0x6: {  	_ = 	snop  }
0x7: {  	_ = 	snop  }
__scs_overlays_trampoline_lowered:
0x8: {  	[smem:$0x3FA9] =	sst s0  }
0x9: {  	[smem:$0x3FAA] =	sst s1  }
0xa: {  	[smem:$0x3FAB] =	sst s2  }
0xb: {  	[smem:$0x3FAC] =	sst s3  }
0xc: {  	[smem:$0x3FAD] =	sst s4  }
0xd: {  	[smem:$0x3FAE] =	sst s5  }
0xe: {  	[smem:$0x3FAF] =	sst s6  }
0xf: {  	[smem:$0x3FB0] =	sst s7  }
0x10: {  	[smem:$0x3FB1] =	sst s8  }
0x11: {  	[smem:$0x3FB2] =	sst s9;
	s0 =	simm.s32 @!p0 $0x0  }
0x12: {  	s1 =	sld [smem:$0x3F98];
	s0 =	simm.s32 @p0 $0x1  }
0x13: {  	[smem:$0x3FB3] =	sst s0;
	s0 =	simm.s32 @!p1 $0x0  }
0x14: {  	s2 =	sld [smem:$0x3F97];
	s0 =	simm.s32 @p1 $0x1  }
0x15: {  	[smem:$0x3FB4] =	sst s0;
	s0 =	simm.s32 @!p2 $0x0  }
0x16: {  	s3 =	sld [smem:$0x3FDB];
	s0 =	simm.s32 @p2 $0x1  }
0x17: {  	s4 =	simm.s32 $0x1BF5;
	[smem:$0x3FB6] =	sst s0  }
0x18: {  	s0 =	sld [smem:$0x3F99];
	_ =	swait.ge [sflag:s4], $0x0  }
0x19: {  	s7 =	sld [smem:$0x3F9A]  }
0x1a: {  	s8 =	sadd.s32 $0xFFFFE003, lr  }
0x1b: {  	s9 =	sadd.s32 $0xFFFFFEF7, lr;
	s5 =	simm.s32 $0xFFFFFFFF;
	p2 =	slt.u32 s8, $0xFFFFF086  }
0x1c: {  	p1 =	slt.u32 s9, $0xF7A;
	s5 =	simm.s32 @!p2 $0x0  }
0x1d: {  	s5 =	simm.s32 @p1 $0x1;
	p0 =	seq.s32 s7, s2  }
0x1e: {  	s7 =	smul.u32 @!p0 $0xF7A, s2;
	p2 =	seq.s32 @!p0 s5, $0x0  }
0x1f: {  	s9 =	smul.u32 $0xF7A, s1;
	s8 =	simm.s32 @!p0 $0x1BF5;
	p2 =	por !p2, p0  }
0x20: {  	[sflag:s8] =	ssyncset.s32 @!p0 $0xFFFFF086;
	s6 =	sadd.s32 @!p0 s3, s7;
	s7 =	simm.s32 @!p0 $0x108  }
0x21: {  	s3 =	sadd.s32 s3, s9;
	s6 =	sadd.s32 @!p0 $0x88, s6;
	s7 =	simm.s32 @p2 $0x1082  }
0x22: {  	[simem:s7], [sflag:s8] =	dma.local @!p0 [hbm:s6], $0xF7A  }
0x23: {  	s9 =	sor.u32 $0xD0000000, s2;
	s6 =	simm.s32 $0x108;
	_ =	swait.ge @!p0 [sflag:s8], $0x0  }
0x24: {  	s3 =	sadd.s32 $0x88, s3;
	s6 =	simm.s32 @!p1 $0x1082;
	[sflag:s4] =	ssyncset.s32 $0xFFFFF086  }
0x25: {  	[simem:s6], [sflag:s4] =	dma.local [hbm:s3], $0xF7A  }
0x26: {  	[smem:$0x3F9A] =	sst s1;
	(tag) =	ssettag s2;
	_ =	strace s9  }
0x27: {  	s1 =	sld [smem:$0x3FAA]  }
0x28: {  	s2 =	sld [smem:$0x3FAB]  }
0x29: {  	s4 =	sld [smem:$0x3FAD]  }
0x2a: {  	p0 =	seq.s32 s5, $0x0;
	s5 =	sld [smem:$0x3FAE]  }
0x2b: {  	s6 =	sld [smem:$0x3FAF]  }
0x2c: {  	s7 =	sld [smem:$0x3FB0]  }
0x2d: {  	s3 =	simm.s32 $0x108;
	s8 =	sld [smem:$0x3FB1]  }
0x2e: {  	s3 =	simm.s32 @!p0 $0x1082;
	s9 =	sld [smem:$0x3FB2]  }
0x2f: {  	lr =	sadd.s32 s0, s3;
	s0 =	sld [smem:$0x3FA9]  }
0x30: {  	s3 =	sld [smem:$0x3FAC]  }
0x31: {  	[smem:$0x3FB5] =	sst s10  }
0x32: {  	s10 =	sld [smem:$0x3FB3];
	_ =	sdelay $0x3  }
0x33: {  	p0 =	seq.s32 s10, $0x1;
	s10 =	sld [smem:$0x3FB5];
	_ =	sdelay $0x3  }
0x34: {  	[smem:$0x3FB5] =	sst s10  }
0x35: {  	s10 =	sld [smem:$0x3FB4];
	_ =	sdelay $0x3  }
0x36: {  	p1 =	seq.s32 s10, $0x1;
	s10 =	sld [smem:$0x3FB5];
	_ =	sdelay $0x3  }
0x37: {  	[smem:$0x3FB5] =	sst s10  }
0x38: {  	s10 =	sld [smem:$0x3FB6]  }
0x39: {  	_ = 	snop;
	(pc) =	sbr.ind lr, $3  }
0x3a: {  	_ = 	snop  }
0x3b: {  	_ = 	snop  }
0x3c: {  	p2 =	seq.s32 s10, $0x1;
	s10 =	sld [smem:$0x3FB5]  }
0x3d: {  	_ =	shalt  }
0x3e: {  	_ =	shalt  }
0x3f: {  	_ =	shalt  }
0x40: {  	_ =	shalt  }
0x41: {  	_ =	shalt  }
0x42: {  	_ =	shalt  }
0x43: {  	_ =	shalt  }
0x44: {  	_ =	shalt  }
0x45: {  	_ =	shalt  }
0x46: {  	_ =	shalt  }
0x47: {  	_ =	shalt  }
0x48: {  	_ =	shalt  }
0x49: {  	_ =	shalt  }
0x4a: {  	_ =	shalt  }
0x4b: {  	_ =	shalt  }
0x4c: {  	_ =	shalt  }
0x4d: {  	_ =	shalt  }
0x4e: {  	_ =	shalt  }
0x4f: {  	_ =	shalt  }
0x50: {  	_ =	shalt  }
0x51: {  	_ =	shalt  }
0x52: {  	_ =	shalt  }
0x53: {  	_ =	shalt  }
0x54: {  	_ =	shalt  }
0x55: {  	_ =	shalt  }
0x56: {  	_ =	shalt  }
0x57: {  	_ =	shalt  }
0x58: {  	_ =	shalt  }
0x59: {  	_ =	shalt  }
0x5a: {  	_ =	shalt  }
0x5b: {  	_ =	shalt  }
0x5c: {  	_ =	shalt  }
0x5d: {  	_ =	shalt  }
0x5e: {  	_ =	shalt  }
0x5f: {  	_ =	shalt  }
0x60: {  	_ =	shalt  }
0x61: {  	_ =	shalt  }
0x62: {  	_ =	shalt  }
0x63: {  	_ =	shalt  }
0x64: {  	_ =	shalt  }
0x65: {  	_ =	shalt  }
0x66: {  	_ =	shalt  }
0x67: {  	_ =	shalt  }
0x68: {  	_ =	shalt  }
0x69: {  	_ =	shalt  }
0x6a: {  	_ =	shalt  }
0x6b: {  	_ =	shalt  }
0x6c: {  	_ =	shalt  }
0x6d: {  	_ =	shalt  }
0x6e: {  	_ =	shalt  }
0x6f: {  	_ =	shalt  }
0x70: {  	_ =	shalt  }
0x71: {  	_ =	shalt  }
0x72: {  	_ =	shalt  }
0x73: {  	_ =	shalt  }
0x74: {  	_ =	shalt  }
0x75: {  	_ =	shalt  }
0x76: {  	_ =	shalt  }
0x77: {  	_ =	shalt  }
0x78: {  	_ =	shalt  }
0x79: {  	_ =	shalt  }
0x7a: {  	_ =	shalt  }
0x7b: {  	_ =	shalt  }
0x7c: {  	_ =	shalt  }
0x7d: {  	_ =	shalt  }
0x7e: {  	_ =	shalt  }
0x7f: {  	_ =	shalt  }
0x80: {  	_ =	shalt  }
0x81: {  	_ =	shalt  }
0x82: {  	_ =	shalt  }
0x83: {  	_ =	shalt  }
0x84: {  	_ =	shalt  }
0x85: {  	_ =	shalt  }
0x86: {  	_ =	shalt  }
0x87: {  	_ =	shalt  }
.Lfunc_end0:
.L_simem_size_0:
called_computation_lowered:
.L_overlay_start_0:
0x88: {  	s2 =	sld [smem:$0x3FD9]  }
0x89: {  	s3 =	sld [smem:$0x3FFE];
	_ =	sdelay $0x1  }
0x8a: {  	s1 =	srdreg.scid  }
0x8b: {  	s0 =	sand.u32 $0x1, s1  }
0x8c: {  	s17 =	sshll.u32 s0, $0xA;
	s2 =	sadd.s32 s3, s2  }
0x8d: {  	s2 =	sadd.s32 s2, s17  }
0x8e: {  	[smem:$0x3FC1] =	sst s2  }
0x8f: {  	_ = 	snop  }
0x90: {  	s2 =	sld [smem:$0x3FD0];
	(tm) =	ssettm $0x1  }
0x91: {  	s18 =	sld [smem:$0x3FFB];
	_ =	sdelay $0x3  }
0x92: {  	_ =	strace s18  }
0x93: {  	s3 =	sld [smem:$0x3FFC];
	_ =	sdelay $0x3  }
0x94: {  	_ =	strace s3  }
0x95: {  	s3 =	sld [smem:$0x3FFD];
	_ =	sdelay $0x3  }
0x96: {  	_ =	strace s3  }
0x97: {  	_ =	strace $0x8FFFFFFF  }
0x98: {  	s19 =	sld [smem:$0x3FDB];
	_ =	sdelay $0x1  }
0x99: {  	s4 =	simm.s32 $_scs_section_size  }
0x9a: {  	s5 =	simm.s32 $_size__tile_overlayer_lowered;
	s6 =	simm.s32 $_tile_overlayer_lowered  }
0x9b: {  	s22 =	simm.s32 $0x1BFF;
	s21 =	sshll.u32 s6, $0x1;
	s3 =	sadd.s32 s4, s19  }
0x9c: {  	s7 =	simm.s32 $0x0;
	s20 =	sshll.u32 s5, $0x1;
	s5 =	sadd.s32 s21, s3  }
0x9d: {  	[timem:s7], [sflag:s22] =	dma.local [hbm:s5], s20  }
0x9e: {  	_ =	swait.ge [sflag:s22], s20  }
0x9f: {  	s4 =	ssub.s32 $0x0, s20;
	[sflag:s22] =	ssyncset.done $0x0  }
0xa0: {  	[sflag:s22] =	ssyncadd.s32 s4;
	_ =	sdelay $0x1  }
0xa1: {  	s23 =	simm.s32 $0x1B8B  }
0xa2: {  	_ =	swait.ge [sflag:s23], $0x1  }
0xa3: {  	[sflag:s23] =	ssyncset.done $0x0  }
0xa4: {  	s25 =	simm.s32 $0x1B8E;
	s24 =	sld [smem:$0x3FFE];
	[sflag:s23] =	ssyncadd.s32 $0xFFFFFFFF  }
0xa5: {  	s26 =	simm.s32 $execute0_lowered;
	[smem:$0x3FD2] =	sst s25  }
0xa6: {  	s5 =	sshll.u32 s26, $0x1;
	_ =	strace $0x80000046;
	[dreg:$0x1] =	wrdreg $0xFFFFFFFF  }
0xa7: {  	s28 =	simm.s32 $_size_execute0_lowered;
	s3 =	sadd.s32 s3, s5;
	[dreg:$0x0] =	wrdreg $0x0  }
0xa8: {  	s5 =	sshll.u32 s28, $0x1;
	[dreg:$0x2] =	wrdreg s3  }
0xa9: {  	[dreg:$0x3] =	wrdreg s5  }
0xaa: {  	[dreg:$0x4] =	wrdreg $0xC0  }
0xab: {  	_ =	task [dreg:s7], $0x5FFFF  }
0xac: {  	[dreg:$0x1] =	wrdreg $0xFFFFFFFF  }
0xad: {  	[dreg:$0x0] =	wrdreg $0x60  }
0xae: {  	[dreg:$0x2] =	wrdreg s24  }
0xaf: {  	[dreg:$0x3] =	wrdreg s2  }
0xb0: {  	[dreg:$0x4] =	wrdreg $0x151600  }
0xb1: {  	[dreg:$0x5] =	wrdreg $0x1F2A00  }
0xb2: {  	[dreg:$0x6] =	wrdreg $0x156600  }
0xb3: {  	[dreg:$0x7] =	wrdreg $0x153E00  }
0xb4: {  	[dreg:$0x8] =	wrdreg $0x9  }
0xb5: {  	_ =	task.clear_ibuf [dreg:s7], $0x9FFFF;
	_ =	strace $0x90000046  }
0xb6: {  	s29 =	simm.s32 $0x9;
	_ =	strace $0x80000048  }
0xb7: {  	_ =	swait.ge [sflag:s29], $0x1  }
0xb8: {  	[sflag:s29] =	ssyncadd.s32 $0xFFFFFFFF  }
0xb9: {  	_ =	strace $0x90000048  }
0xba: {  	_ =	sfence  }
0xbb: {  	s30 =	sld [smem:$0x0];
	_ =	sdelay $0x2  }
0xbc: {  	s31 =	sshll.u32 s1, $0xD;
	s1 =	sshrl.u32 s1, $0x2  }
0xbd: {  	s3 =	sand.u32 $0x4000, s31;
	s1 =	sadd.s32 s1, s30  }
0xbe: {  	s0 =	sor.u32 s3, s0;
	s1 =	sshll.u32 s1, $0x11  }
0xbf: {  	s0 =	sor.u32 s1, s0  }
0xc0: {  	s0 =	sadd.s32 $0x8F2B, s0  }
0xc1: {  	[sflag:s0] =	ssyncadd.remote.s32 $0x1  }
0xc2: {  	_ =	sfence.sel $0xFFFF  }
0xc3: {  	[dreg:$0x0] =	wrdreg $0xFFFFFFFF;
	(pc) =	sbr.abs _section_cstart, $3  }
0xc4: {  	[dreg:$0x1] =	wrdreg $0xFFFFFFFF  }
0xc5: {  	_ =	task.clear_ibuf [dreg:s7], $0x2FFFF;
	_ =	strace $0x9FFFFFFF  }
0xc6: {  	(tm) =	ssettm $0x7FFFFFFF  }
0xc7: {  	_ =	shalt  }
tec
execute0_lowered:
.L_overlay_start_1:
0x0: {  	(tag) =	ssettag $0x1  }
0x1: {  	s0 =	rddreg [dreg:$0x0]  }
0x2: {  	s12 =	rddreg [dreg:$0x2]  }
0x3: {  	s3 =	rddreg [dreg:$0x3]  }
0x4: {  	s14 =	rddreg [dreg:$0x4];
	s1 =	srdreg.scid  }
0x5: {  	s11 =	stileid.u32;
	s15 =	rddreg [dreg:$0x5]  }
0x6: {  	s7 =	simm.s32 $0x0;
	s1 =	sand.u32 $0x1, s1;
	s2 =	sshll.u32 s11, $0x1  }
0x7: {  	[smem:$0x7FF] =	sst s7;
	s8 =	sadd.s32 $0x1400, s0;
	s10 =	smul.u32 $0x27100, s11  }
0x8: {  	s9 =	sadd.s32 $0x15000, s0;
	s17 =	smul.u32 $0xA00, s11;
	s4 =	sor.u32 s1, s2  }
0x9: {  	s5 =	sshll.u32 s1, $0x4;
	s2 =	ssub.s32 s2, s1;
	_ =	strace $0x80000047  }
0xa: {  	[dreg:$0x7] =	wrdreg s9;
	s26 =	ssub.s32 $0x2, s1;
	s4 =	smul.u32 $0x4E2, s4  }
0xb: {  	p1 =	sne.s32 s1, $0x0;
	s5 =	sor.u32 s11, s5;
	s2 =	smul.u32 $0x2710, s2  }
0xc: {  	s28 =	sshrl.u32 s26, $0x1;
	s21 =	sshrl.u32 s17, $0x2;
	s17 =	simm.s32 $0x800  }
0xd: {  	s5 =	smul.u32 $0x1388, s5;
	s23 =	sadd.s32 $0xA940, s21;
	s21 =	simm.s32 $0x0  }
0xe: {  	s6 =	sadd.s32 s4, s0;
	s2 =	sadd.s32 $0x2710, s2;
	s4 =	sadd.s32 s8, s4  }
0xf: {  	s0 =	sadd.s32 s5, s0;
	s2 =	sshrl.u32 s2, $0x3;
	s5 =	ssub.s32 s26, s28  }
0x10: {  	s26 =	smul.u32 $0x280, s11;
	s29 =	sadd.s32 $0xB200, s6;
	[dreg:$0xa] =	wrdreg s4  }
0x11: {  	s6 =	sshrl.u32 s10, $0x2;
	s2 =	sadd.s32 s8, s2;
	[dreg:$0x9] =	wrdreg s29  }
0x12: {  	s8 =	sor.u32 s11, s1;
	s0 =	sadd.s32 $0x15600, s0;
	[dreg:$0x8] =	wrdreg s2  }
0x13: {  	s14 =	sadd.s32 s6, s14;
	s22 =	smax.u32 s5, $0x1;
	[dreg:$0x13] =	wrdreg s0  }
0x14: {  	s11 =	simm.s32 $0xA940;
	s2 =	sadd.s32 $0x800, s14;
	[dreg:$0x14] =	wrdreg s22  }
0x15: {  	s13 =	sadd.s32 s26, s12;
	s9 =	sadd.s32 $0x1000, s14;
	[dreg:$0xb] =	wrdreg s2  }
0x16: {  	s10 =	sadd.s32 $0x1800, s14;
	s12 =	sadd.s32 $0x2000, s14;
	[dreg:$0xc] =	wrdreg s9  }
0x17: {  	s16 =	sadd.s32 $0x2800, s14;
	s18 =	sadd.s32 $0x3000, s14;
	[dreg:$0xd] =	wrdreg s10  }
0x18: {  	p0 =	sne.s32 s8, $0x0;
	s19 =	sadd.s32 $0x3800, s14;
	[dreg:$0xe] =	wrdreg s12  }
0x19: {  	s20 =	sadd.s32 $0x4000, s14;
	s24 =	sadd.s32 $0x4800, s14;
	[dreg:$0xf] =	wrdreg s16  }
0x1a: {  	s25 =	sadd.s32 $0x5000, s14;
	s28 =	sadd.s32 $0x5800, s14;
	[dreg:$0x10] =	wrdreg s18  }
0x1b: {  	s29 =	sadd.s32 $0x6000, s14;
	s30 =	sadd.s32 $0x6800, s14;
	[dreg:$0x11] =	wrdreg s19  }
0x1c: {  	s31 =	sadd.s32 $0x7000, s14;
	s4 =	sadd.s32 $0x7800, s14;
	[dreg:$0x12] =	wrdreg s20  }
0x1d: {  	s0 =	sadd.s32 $0x8000, s14;
	s6 =	sadd.s32 $0x8800, s14;
	[dreg:$0x15] =	wrdreg s24  }
.Ltmp0:
0x1e: {  	v0 =	vmov s23;
	s1 =	sadd.s32 $0x9000, s14;
	[dreg:$0x16] =	wrdreg s25;
	(pc) =	sbr.rel .LBB2_1-.Ltmp0, $4  }
0x1f: {  	s5 =	sadd.s32 $0x9800, s14;
	s22 =	simm.s32 $0x7D30;
	[dreg:$0x17] =	wrdreg s28  }
0x20: {  	[dreg:$0x18] =	wrdreg s29;
	s2 =	sadd.s32 s26, s15;
	s10 =	simm.s32 $0x2F10  }
0x21: {  	v1 =	vimm.f32 $0.0e+00;
	v2 =	vimm.f32 $1.000000000e+00;
	s12 =	simm.s32 $0x4;
	s15 =	simm.s32 $0x1;
	s16 =	simm.s32 $0x2710  }
0x22: {  	v3 =	vimm.s32 $0x1FFEC78;
	v4 =	vimm.s32 $0x40;
	v5 =	vlaneseq.u32;
	s18 =	simm.s32 $0x2;
	s19 =	simm.s32 $0x3;
	s20 =	simm.s32 $0xD140  }
.LBB2_14:
0x23: {  	_ =	sdelay $0x2  }
0x24: {  	v7 =	vor.u32 s9, v5  }
0x25: {  	v8 =	vld.idx.msk [tilespmem:v0+s8+$0x0 ss:$0x1], $0xffff;
	vm1 =	vlt.u32 v7, $0x1388  }
0x26: {  	v9 =	vsel vm1, $0x0, v3  }
0x27: {  	v7 =	vadd.s32 v7, v9  }
0x28: {  	v63 =	vsel vm1, $0x0, v4;
	v7 =	vshll.u32 v7, $0x7  }
0x29: {  	[tilespmem:s8+$0x149E0] =	vst v6;
	v6 =	vor.u32 v63, v7  }
0x2a: {  	v7 =	vsel vm0, $0x3F800000, v1;
	[tilespmem:s8+$0x14C60] =	vst v8;
	v6 =	vadd.s32 v8, v6  }
0x2b: {  	s24 =	rddreg [dreg:$0x4];
	[tilespmem:s8+$0x14EE0] =	vst v7;
	v6 =	vnsel vm0, $0x0, v6  }
0x2c: {  	s25 =	simm.s32 $0x280;
	s10 =	simm.s32 $0x14760;
	s22 =	simm.s32 $0x149E0;
	[tilespmem:s8+$0x14760] =	vst v6  }
0x2d: {  	[spmem:s24] =	stream.indirect.scatter.add.f32 [tilespmem:s22], [sflag:$0x3], $0x1, s10, s25, $0xb8;
	[tilespmem:$0x1F2A8] =	vst v63  }
0x2e: {  	_ =	swait.ge [sflag:s19], $0x280  }
0x2f: {  	[sflag:s19] =	ssyncset.done $0x0  }
0x30: {  	s28 =	simm.s32 $0x14C60;
	s29 =	simm.s32 $0x14EE0;
	[sflag:s19] =	ssyncadd.s32 $0xFFFFFD80  }
0x31: {  	[spmem:s3] =	stream.indirect.scatter.add.f32 [tilespmem:s29], [sflag:$0x3], $0x1, s28, s25, $0xb8;
	[tilespmem:$0x1F2A8] =	vst v63  }
0x32: {  	_ =	swait.ge [sflag:s19], $0x280  }
0x33: {  	[sflag:s19] =	ssyncset.done $0x0  }
0x34: {  	[sflag:s19] =	ssyncadd.s32 $0xFFFFFD80  }
.LBB2_15:
0x35: {  	_ =	swait.ge [sflag:s15], $0x2710  }
0x36: {  	[sflag:s15] =	ssyncset.done $0x0  }
0x37: {  	s8 =	stileid.u32;
	[sflag:s15] =	ssyncadd.s32 $0xFFFFD8F0  }
0x38: {  	s8 =	sshll.u32 s8, $0x6;
	[bflag:$0x0] =	sbarrier.arrive $0xFFFF  }
0x39: {  	s9 =	sshrl.u32 s14, $0x3;
	s8 =	sor.u32 $0x1C04, s8;
	s10 =	rddreg [dreg:$0x13]  }
0x3a: {  	[hbm:s10], [sflag:s8] =	dma.local [spmem:s9], $0x1388  }
0x3b: {  	_ =	swait.ge [sflag:s12], $0x1388  }
0x3c: {  	[sflag:s12] =	ssyncset.done $0x0  }
0x3d: {  	[sflag:s12] =	ssyncadd.s32 $0xFFFFEC78  }
0x3e: {  	s9 =	sshrl.u32 @!p0 s3, $0x3;
	s10 =	rddreg [dreg:$0x1]  }
0x3f: {  	[hbm:s10], [sflag:s8] =	dma.local @!p0 [spmem:s9], $0x8  }
0x40: {  	s8 =	simm.s32 @!p0 $0x4  }
0x41: {  	_ =	swait.ge @!p0 [sflag:s8], $0x8  }
0x42: {  	s21 =	sadd.s32 $0x1, s21;
	s29 =	rddreg [dreg:$0x14]  }
0x43: {  	p2 =	sne.s32 s21, s29  }
.Ltmp1:
0x44: {  	_ = 	snop;
	(pc) =	sbr.rel @!p2 .LBB2_16-.Ltmp1, $3  }
0x45: {  	_ =	sdelay $0x1  }
0x46: {  	[sflag:s8] =	ssyncset.done @!p0 $0x0  }
0x47: {  	s22 =	simm.s32 $0x7D30;
	s10 =	simm.s32 $0x2F10;
	[sflag:s8] =	ssyncadd.s32 @!p0 $0xFFFFFFF8  }
.LBB2_1:
0x48: {  	s8 =	rddreg [dreg:$0x8]  }
0x49: {  	[tilespmem:s10], [sflag:$0x1] =	stream.linear.gather [hbm4b:s8+s7], $0x2710, $0x38;
	[tilespmem:$0x1F2A8] =	vst v63  }
0x4a: {  	s25 =	rddreg [dreg:$0x9];
	s9 =	simm.s32 $0x5620  }
0x4b: {  	[tilespmem:s9], [sflag:$0x2] =	stream.linear.gather [hbm4b:s25+s7], $0x2710, $0x38;
	[tilespmem:$0x1F2A8] =	vst v63  }
0x4c: {  	s28 =	rddreg [dreg:$0xa]  }
0x4d: {  	[tilespmem:s22], [sflag:$0x1] =	stream.linear.gather [hbm4b:s28+s7], $0x2710, $0x38;
	[tilespmem:$0x1F2A8] =	vst v63  }
0x4e: {  	s29 =	rddreg [dreg:$0x7];
	s8 =	simm.s32 $0x0  }
0x4f: {  	[tilespmem:s11], [sflag:$0x2] =	stream.linear.gather [hbm4b:s29+s7], $0x2800, $0x38;
	[tilespmem:$0x1F2A8] =	vst v63  }
.LBB2_2:
0x50: {  	p2 =	sne.s32 s8, $0x1FC0  }
.Ltmp2:
0x51: {  	_ = 	snop;
	(pc) =	sbr.rel @p2 .LBB2_2-.Ltmp2, $3  }
0x52: {  	_ =	sdelay $0x1  }
0x53: {  	s9 =	sshra.s32 s8, $0x2  }
0x54: {  	s8 =	sadd.s32 $0x40, s8;
	[tilespmem:s9+$0x0] =	vst v1  }
0x55: {  	s8 =	simm.s32 $0x40;
	s9 =	simm.s32 $0x0  }
.LBB2_4:
0x56: {  	p2 =	sne.s32 s8, $0x9C00;
	[tilespmem:s9+$0x800] =	vst v2;
	s9 =	smov.u32 s8;
	s8 =	sadd.s32 $0x40, s8  }
.Ltmp3:
0x57: {  	(pc) =	sbr.rel @p2 .LBB2_4-.Ltmp3, $2  }
0x58: {  	_ =	sdelay $0x2  }
0x59: {  	s9 =	sshra.s32 s9, $0x2  }
0x5a: {  	[tilespmem:s9+$0x800] =	vst v2  }
0x5b: {  	[spmem:s13] =	stream.linear.scatter [tilespmem:s7], [sflag:$0x4], $0x280, $0x38;
	[tilespmem:$0x1F2A8] =	vst v63  }
0x5c: {  	_ =	swait.ge [sflag:s12], $0x280  }
0x5d: {  	[sflag:s12] =	ssyncset.done $0x0  }
0x5e: {  	s8 =	simm.s32 @!p0 $0x0;
	[sflag:s12] =	ssyncadd.s32 $0xFFFFFD80  }
0x5f: {  	[spmem:s3] =	stream.linear.scatter @!p0 [tilespmem:s8], [sflag:$0x4], $0x40, $0x38;
	[tilespmem:$0x1F2A8] =	vst v63  }
0x60: {  	s8 =	simm.s32 @!p0 $0x4  }
0x61: {  	_ =	swait.ge @!p0 [sflag:s8], $0x40  }
0x62: {  	[sflag:s8] =	ssyncset.done @!p0 $0x0  }
0x63: {  	[sflag:s8] =	ssyncadd.s32 @!p0 $0xFFFFFFC0;
	s8 =	simm.s32 $0x0  }
0x64: {  	[spmem:s14] =	stream.linear.scatter [tilespmem:s8], [sflag:$0x3], $0x800, $0x38;
	[tilespmem:$0x1F2A8] =	vst v63  }
0x65: {  	s25 =	rddreg [dreg:$0xb]  }
0x66: {  	[spmem:s25] =	stream.linear.scatter [tilespmem:s8], [sflag:$0x3], $0x800, $0x38;
	[tilespmem:$0x1F2A8] =	vst v63  }
0x67: {  	s28 =	rddreg [dreg:$0xc]  }
0x68: {  	[spmem:s28] =	stream.linear.scatter [tilespmem:s8], [sflag:$0x3], $0x800, $0x38;
	[tilespmem:$0x1F2A8] =	vst v63  }
0x69: {  	s29 =	rddreg [dreg:$0xd]  }
0x6a: {  	[spmem:s29] =	stream.linear.scatter [tilespmem:s8], [sflag:$0x3], $0x800, $0x38;
	[tilespmem:$0x1F2A8] =	vst v63  }
0x6b: {  	s23 =	rddreg [dreg:$0xe]  }
0x6c: {  	[spmem:s23] =	stream.linear.scatter [tilespmem:s8], [sflag:$0x3], $0x800, $0x38;
	[tilespmem:$0x1F2A8] =	vst v63  }
0x6d: {  	s24 =	rddreg [dreg:$0xf]  }
0x6e: {  	[spmem:s24] =	stream.linear.scatter [tilespmem:s8], [sflag:$0x3], $0x800, $0x38;
	[tilespmem:$0x1F2A8] =	vst v63  }
0x6f: {  	s25 =	rddreg [dreg:$0x10]  }
0x70: {  	[spmem:s25] =	stream.linear.scatter [tilespmem:s8], [sflag:$0x3], $0x800, $0x38;
	[tilespmem:$0x1F2A8] =	vst v63  }
0x71: {  	s28 =	rddreg [dreg:$0x11]  }
0x72: {  	[spmem:s28] =	stream.linear.scatter [tilespmem:s8], [sflag:$0x3], $0x800, $0x38;
	[tilespmem:$0x1F2A8] =	vst v63  }
0x73: {  	s29 =	rddreg [dreg:$0x12]  }
0x74: {  	[spmem:s29] =	stream.linear.scatter [tilespmem:s8], [sflag:$0x3], $0x800, $0x38;
	[tilespmem:$0x1F2A8] =	vst v63  }
0x75: {  	s23 =	rddreg [dreg:$0x15]  }
0x76: {  	[spmem:s23] =	stream.linear.scatter [tilespmem:s8], [sflag:$0x3], $0x800, $0x38;
	[tilespmem:$0x1F2A8] =	vst v63  }
0x77: {  	s24 =	rddreg [dreg:$0x16]  }
0x78: {  	[spmem:s24] =	stream.linear.scatter [tilespmem:s8], [sflag:$0x3], $0x800, $0x38;
	[tilespmem:$0x1F2A8] =	vst v63  }
0x79: {  	s25 =	rddreg [dreg:$0x17]  }
0x7a: {  	[spmem:s25] =	stream.linear.scatter [tilespmem:s8], [sflag:$0x3], $0x800, $0x38;
	[tilespmem:$0x1F2A8] =	vst v63  }
0x7b: {  	s28 =	rddreg [dreg:$0x18]  }
0x7c: {  	[spmem:s28] =	stream.linear.scatter [tilespmem:s8], [sflag:$0x3], $0x800, $0x38;
	[tilespmem:$0x1F2A8] =	vst v63  }
0x7d: {  	_ = 	snop  }
0x7e: {  	[spmem:s30] =	stream.linear.scatter [tilespmem:s8], [sflag:$0x3], $0x800, $0x38;
	[tilespmem:$0x1F2A8] =	vst v63  }
0x7f: {  	_ = 	snop  }
0x80: {  	[spmem:s31] =	stream.linear.scatter [tilespmem:s8], [sflag:$0x3], $0x800, $0x38;
	[tilespmem:$0x1F2A8] =	vst v63  }
0x81: {  	_ = 	snop  }
0x82: {  	[spmem:s4] =	stream.linear.scatter [tilespmem:s8], [sflag:$0x3], $0x800, $0x38;
	[tilespmem:$0x1F2A8] =	vst v63  }
0x83: {  	_ = 	snop  }
0x84: {  	[spmem:s0] =	stream.linear.scatter [tilespmem:s8], [sflag:$0x3], $0x800, $0x38;
	[tilespmem:$0x1F2A8] =	vst v63  }
0x85: {  	_ = 	snop  }
0x86: {  	[spmem:s6] =	stream.linear.scatter [tilespmem:s8], [sflag:$0x3], $0x800, $0x38;
	[tilespmem:$0x1F2A8] =	vst v63  }
0x87: {  	_ = 	snop  }
0x88: {  	[spmem:s1] =	stream.linear.scatter [tilespmem:s8], [sflag:$0x3], $0x800, $0x38;
	[tilespmem:$0x1F2A8] =	vst v63  }
0x89: {  	_ = 	snop  }
0x8a: {  	[spmem:s5] =	stream.linear.scatter [tilespmem:s8], [sflag:$0x3], $0x440, $0x38;
	[tilespmem:$0x1F2A8] =	vst v63  }
0x8b: {  	_ =	swait.ge [sflag:s15], $0x2710  }
0x8c: {  	[sflag:s15] =	ssyncset.done $0x0  }
0x8d: {  	[sflag:s15] =	ssyncadd.s32 $0xFFFFD8F0  }
0x8e: {  	_ =	swait.ge [sflag:s15], $0x2710  }
0x8f: {  	[sflag:s15] =	ssyncset.done $0x0  }
0x90: {  	[sflag:s15] =	ssyncadd.s32 $0xFFFFD8F0  }
0x91: {  	[bflag:$0x0] =	sbarrier.arrive $0xFFFF  }
0x92: {  	s29 =	rddreg [dreg:$0x2]  }
0x93: {  	[spmem:s29] =	stream.indirect.scatter.add.f32 [tilespmem:s17], [sflag:$0x1], $0x1, s10, s16, $0xb8;
	[tilespmem:$0x1F2A8] =	vst v63  }
0x94: {  	_ = 	snop  }
0x95: {  	[spmem:s29] =	stream.indirect.scatter.add.f32 [tilespmem:s17], [sflag:$0x1], $0x1, s22, s16, $0xb8;
	[tilespmem:$0x1F2A8] =	vst v63  }
0x96: {  	_ =	swait.ge [sflag:s18], $0x2800  }
0x97: {  	[sflag:s18] =	ssyncset.done $0x0  }
0x98: {  	[sflag:s18] =	ssyncadd.s32 $0xFFFFD800  }
0x99: {  	_ =	swait.ge [sflag:s18], $0x2710  }
0x9a: {  	[sflag:s18] =	ssyncset.done $0x0  }
0x9b: {  	s22 =	simm.s32 $0x0;
	[sflag:s18] =	ssyncadd.s32 $0xFFFFD8F0  }
0x9c: {  	v6 =	vld [tilespmem:s22+$0x7D30];
	_ =	sdelay $0x4  }
0x9d: {  	v7 =	vld [tilespmem:s22+$0x5620];
	_ =	sdelay $0x1  }
0x9e: {  	v8 =	vld [tilespmem:s22+$0x7D40]  }
0x9f: {  	v6 =	vld.idx.msk [tilespmem:v6+s11+$0x0], $0xffff;
	_ =	sdelay $0x1  }
0xa0: {  	vm0 =	vlt.s32 v7, $0x1388  }
0xa1: {  	v9 =	vsel vm0, $0x0, v3  }
0xa2: {  	v57 =	vsel vm0, $0x0, v4;
	v7 =	vadd.s32 v7, v9  }
0xa3: {  	v7 =	vshll.u32 v7, $0x7;
	v6 =	vadd.s32 v57, v6  }
0xa4: {  	v6 =	vadd.s32 v7, v6;
	v7 =	vld [tilespmem:s22+$0x5630]  }
0xa5: {  	[tilespmem:s22+$0xF940] =	vst v6  }
0xa6: {  	v6 =	vld.idx.msk [tilespmem:v8+s11+$0x0], $0xffff  }
0xa7: {  	v8 =	vld [tilespmem:s22+$0x7D50];
	_ =	sdelay $0x1  }
0xa8: {  	vm13 =	vlt.s32 v7, $0x1388  }
0xa9: {  	v58 =	vsel vm13, $0x0, v3  }
0xaa: {  	v59 =	vsel vm13, $0x0, v4;
	v7 =	vadd.s32 v7, v58  }
0xab: {  	v6 =	vadd.s32 v59, v6;
	v7 =	vshll.u32 v7, $0x7  }
0xac: {  	v6 =	vadd.s32 v7, v6;
	v7 =	vld [tilespmem:s22+$0x5640]  }
0xad: {  	[tilespmem:s22+$0xF950] =	vst v6  }
0xae: {  	v6 =	vld.idx.msk [tilespmem:v8+s11+$0x0], $0xffff  }
0xaf: {  	v8 =	vld [tilespmem:s22+$0x7D60];
	_ =	sdelay $0x1  }
0xb0: {  	vm14 =	vlt.s32 v7, $0x1388  }
0xb1: {  	v60 =	vsel vm14, $0x0, v3  }
0xb2: {  	v61 =	vsel vm14, $0x0, v4;
	v7 =	vadd.s32 v7, v60  }
0xb3: {  	v6 =	vadd.s32 v61, v6;
	v7 =	vshll.u32 v7, $0x7  }
0xb4: {  	v6 =	vadd.s32 v7, v6;
	v7 =	vld [tilespmem:s22+$0x5650]  }
0xb5: {  	[tilespmem:s22+$0xF960] =	vst v6  }
0xb6: {  	v6 =	vld.idx.msk [tilespmem:v8+s11+$0x0], $0xffff  }
0xb7: {  	v8 =	vld [tilespmem:s22+$0x7D70];
	_ =	sdelay $0x1  }
0xb8: {  	vm15 =	vlt.s32 v7, $0x1388  }
0xb9: {  	v62 =	vsel vm15, $0x0, v3  }
0xba: {  	v63 =	vsel vm15, $0x0, v4;
	v7 =	vadd.s32 v7, v62  }
0xbb: {  	v6 =	vadd.s32 v63, v6;
	v7 =	vshll.u32 v7, $0x7  }
0xbc: {  	v7 =	vadd.s32 v7, v6;
	v6 =	vld [tilespmem:s22+$0x5660]  }
0xbd: {  	[tilespmem:s22+$0xF970] =	vst v7  }
0xbe: {  	s9 =	simm.s32 $0x50;
	s8 =	simm.s32 $0x280;
	v7 =	vld.idx.msk [tilespmem:v8+s11+$0x0], $0xffff  }
.LBB2_6:
0xbf: {  	p2 =	sne.s32 s8, $0x9B00;
	v8 =	vld [tilespmem:s9+$0x7D30];
	_ =	sdelay $0x1  }
0xc0: {  	vm0 =	vlt.s32 v6, $0x1388  }
0xc1: {  	v9 =	vsel vm0, $0x0, v3  }
0xc2: {  	v6 =	vadd.s32 v6, v9;
	v9 =	vsel vm0, $0x0, v4  }
0xc3: {  	v6 =	vshll.u32 v6, $0x7;
	v7 =	vadd.s32 v9, v7  }
0xc4: {  	v9 =	vld [tilespmem:s9+$0x5620];
	v6 =	vadd.s32 v6, v7  }
0xc5: {  	[tilespmem:s22+$0xF980] =	vst v6;
	s22 =	smov.u32 s9  }
0xc6: {  	v6 =	vld.idx.msk [tilespmem:v8+s11+$0x0], $0xffff  }
0xc7: {  	v7 =	vld [tilespmem:s22+$0x7D40];
	_ =	sdelay $0x1  }
0xc8: {  	vm0 =	vlt.s32 v9, $0x1388  }
0xc9: {  	v8 =	vsel vm0, $0x0, v3  }
0xca: {  	v8 =	vadd.s32 v9, v8;
	v9 =	vsel vm0, $0x0, v4  }
0xcb: {  	v8 =	vshll.u32 v8, $0x7;
	v6 =	vadd.s32 v9, v6  }
0xcc: {  	v6 =	vadd.s32 v8, v6;
	v8 =	vld [tilespmem:s22+$0x5630]  }
0xcd: {  	[tilespmem:s22+$0xF940] =	vst v6  }
0xce: {  	v6 =	vld.idx.msk [tilespmem:v7+s11+$0x0], $0xffff  }
0xcf: {  	v7 =	vld [tilespmem:s22+$0x7D50];
	_ =	sdelay $0x1  }
0xd0: {  	vm0 =	vlt.s32 v8, $0x1388  }
0xd1: {  	v9 =	vsel vm0, $0x0, v3  }
0xd2: {  	v8 =	vadd.s32 v8, v9;
	v9 =	vsel vm0, $0x0, v4  }
0xd3: {  	v8 =	vshll.u32 v8, $0x7;
	v6 =	vadd.s32 v9, v6  }
0xd4: {  	v6 =	vadd.s32 v8, v6;
	v8 =	vld [tilespmem:s22+$0x5640]  }
0xd5: {  	[tilespmem:s22+$0xF950] =	vst v6  }
0xd6: {  	v6 =	vld.idx.msk [tilespmem:v7+s11+$0x0], $0xffff  }
0xd7: {  	v7 =	vld [tilespmem:s22+$0x7D60];
	_ =	sdelay $0x1  }
0xd8: {  	vm0 =	vlt.s32 v8, $0x1388  }
0xd9: {  	v9 =	vsel vm0, $0x0, v3  }
0xda: {  	v8 =	vadd.s32 v8, v9;
	v9 =	vsel vm0, $0x0, v4  }
0xdb: {  	v8 =	vshll.u32 v8, $0x7;
	v6 =	vadd.s32 v9, v6  }
0xdc: {  	v6 =	vadd.s32 v8, v6;
	v8 =	vld [tilespmem:s22+$0x5650]  }
0xdd: {  	[tilespmem:s22+$0xF960] =	vst v6  }
0xde: {  	v6 =	vld.idx.msk [tilespmem:v7+s11+$0x0], $0xffff  }
0xdf: {  	v7 =	vld [tilespmem:s22+$0x7D70];
	_ =	sdelay $0x1  }
0xe0: {  	vm0 =	vlt.s32 v8, $0x1388  }
0xe1: {  	v9 =	vsel vm0, $0x0, v3  }
.Ltmp4:
0xe2: {  	v8 =	vadd.s32 v8, v9;
	v9 =	vsel vm0, $0x0, v4;
	(pc) =	sbr.rel @p2 .LBB2_6-.Ltmp4, $4  }
0xe3: {  	v8 =	vshll.u32 v8, $0x7;
	v6 =	vadd.s32 v9, v6  }
0xe4: {  	v8 =	vadd.s32 v8, v6;
	v6 =	vld [tilespmem:s22+$0x5660]  }
0xe5: {  	[tilespmem:s22+$0xF970] =	vst v8  }
0xe6: {  	s9 =	sshra.s32 s8, $0x2;
	s8 =	sadd.s32 $0x140, s8;
	v7 =	vld.idx.msk [tilespmem:v7+s11+$0x0], $0xffff  }
0xe7: {  	v8 =	vld [tilespmem:s9+$0x7D30];
	_ =	sdelay $0x1  }
0xe8: {  	vm0 =	vlt.s32 v6, $0x1388  }
0xe9: {  	v9 =	vsel vm0, $0x0, v3  }
0xea: {  	v6 =	vadd.s32 v6, v9;
	v9 =	vsel vm0, $0x0, v4  }
0xeb: {  	v6 =	vshll.u32 v6, $0x7;
	v7 =	vadd.s32 v9, v7  }
0xec: {  	v9 =	vld [tilespmem:s9+$0x5620];
	v6 =	vadd.s32 v6, v7  }
0xed: {  	[tilespmem:s22+$0xF980] =	vst v6  }
0xee: {  	v6 =	vld.idx.msk [tilespmem:v8+s11+$0x0], $0xffff  }
0xef: {  	v7 =	vld [tilespmem:s9+$0x7D40];
	_ =	sdelay $0x1  }
0xf0: {  	vm11 =	vlt.s32 v9, $0x1388  }
0xf1: {  	v8 =	vsel vm11, $0x0, v3  }
0xf2: {  	v8 =	vadd.s32 v9, v8;
	v9 =	vsel vm11, $0x0, v4  }
0xf3: {  	v8 =	vshll.u32 v8, $0x7;
	v6 =	vadd.s32 v9, v6  }
0xf4: {  	v6 =	vadd.s32 v8, v6;
	v8 =	vld [tilespmem:s9+$0x5630]  }
0xf5: {  	[tilespmem:s9+$0xF940] =	vst v6  }
0xf6: {  	v6 =	vld.idx.msk [tilespmem:v7+s11+$0x0], $0xffff  }
0xf7: {  	v7 =	vld [tilespmem:s9+$0x7D50];
	_ =	sdelay $0x1  }
0xf8: {  	vm12 =	vlt.s32 v8, $0x1388  }
0xf9: {  	v9 =	vsel vm12, $0x0, v3  }
0xfa: {  	v8 =	vadd.s32 v8, v9;
	v9 =	vsel vm12, $0x0, v4  }
0xfb: {  	v8 =	vshll.u32 v8, $0x7;
	v6 =	vadd.s32 v9, v6  }
0xfc: {  	v6 =	vadd.s32 v8, v6;
	v8 =	vld [tilespmem:s9+$0x5640]  }
0xfd: {  	[tilespmem:s9+$0xF950] =	vst v6  }
0xfe: {  	v6 =	vld.idx.msk [tilespmem:v7+s11+$0x0], $0xffff  }
0xff: {  	v7 =	vld [tilespmem:s9+$0x7D60];
	_ =	sdelay $0x1  }
0x100: {  	vm13 =	vlt.s32 v8, $0x1388  }
0x101: {  	v9 =	vsel vm13, $0x0, v3  }
0x102: {  	v8 =	vadd.s32 v8, v9;
	v9 =	vsel vm13, $0x0, v4  }
0x103: {  	v8 =	vshll.u32 v8, $0x7;
	v6 =	vadd.s32 v9, v6  }
0x104: {  	v6 =	vadd.s32 v8, v6;
	v8 =	vld [tilespmem:s9+$0x5650]  }
0x105: {  	[tilespmem:s9+$0xF960] =	vst v6  }
0x106: {  	v6 =	vld.idx.msk [tilespmem:v7+s11+$0x0], $0xffff  }
0x107: {  	v7 =	vld [tilespmem:s9+$0x7D70];
	_ =	sdelay $0x1  }
0x108: {  	vm14 =	vlt.s32 v8, $0x1388  }
0x109: {  	v9 =	vsel vm14, $0x0, v3  }
0x10a: {  	v8 =	vadd.s32 v8, v9;
	v9 =	vsel vm14, $0x0, v4  }
0x10b: {  	v8 =	vshll.u32 v8, $0x7;
	v6 =	vadd.s32 v9, v6;
	v9 =	vld [tilespmem:s9+$0x5660]  }
0x10c: {  	v6 =	vadd.s32 v8, v6  }
0x10d: {  	[tilespmem:s9+$0xF970] =	vst v6  }
0x10e: {  	v6 =	vld.idx.msk [tilespmem:v7+s11+$0x0], $0xffff;
	_ =	sdelay $0x1  }
0x10f: {  	vm15 =	vlt.s32 v9, $0x1388  }
0x110: {  	v7 =	vsel vm15, $0x0, v3  }
0x111: {  	v8 =	vsel vm15, $0x0, v4;
	v7 =	vadd.s32 v9, v7  }
0x112: {  	v7 =	vshll.u32 v7, $0x7;
	v6 =	vadd.s32 v8, v6  }
0x113: {  	v6 =	vadd.s32 v7, v6  }
0x114: {  	[tilespmem:s9+$0xF980] =	vst v6  }
0x115: {  	_ =	swait.ge [sflag:s15], $0x2710  }
0x116: {  	[sflag:s15] =	ssyncset.done $0x0  }
0x117: {  	[sflag:s15] =	ssyncadd.s32 $0xFFFFD8F0  }
0x118: {  	_ =	swait.ge [sflag:s15], $0x2710  }
0x119: {  	[sflag:s15] =	ssyncset.done $0x0  }
0x11a: {  	[sflag:s15] =	ssyncadd.s32 $0xFFFFD8F0  }
0x11b: {  	s8 =	simm.s32 $0xA440;
	[bflag:$0x0] =	sbarrier.arrive $0xFFFF  }
0x11c: {  	[tilespmem:s8], [sflag:$0x4] =	stream.linear.gather [spmem:s13], $0x280, $0x38;
	[tilespmem:$0x1F2A8] =	vst v63  }
0x11d: {  	_ =	swait.ge [sflag:s12], $0x280  }
0x11e: {  	[sflag:s12] =	ssyncset.done $0x0  }
0x11f: {  	s24 =	simm.s32 $0x0;
	[sflag:s12] =	ssyncadd.s32 $0xFFFFFD80  }
0x120: {  	v6 =	vld [tilespmem:s24+$0xA440];
	_ =	sdelay $0x4  }
0x121: {  	s22 =	simm.s32 $0x10;
	v6 =	vadd.f32 $1.000000000e+00, v6  }
0x122: {  	v7 =	vld [tilespmem:s22+$0xA440]  }
0x123: {  	v8 =	vshrl.u32 v6, $0x1;
	v9 =	vmul.f32 $5.000000000e-01, v6  }
0x124: {  	v6 =	vsub.s32 $0x5F3759DF, v8  }
0x125: {  	v8 =	vmul.f32 v6, v9  }
0x126: {  	s23 =	simm.s32 $0x20  }
0x127: {  	v10 =	vld [tilespmem:s23+$0xA440];
	v7 =	vadd.f32 $1.000000000e+00, v7;
	v8 =	vmul.f32 v6, v8;
	_ =	sdelay $0x1  }
0x128: {  	v11 =	vshrl.u32 v7, $0x1;
	v14 =	vmul.f32 $5.000000000e-01, v7;
	v7 =	vsub.f32 $1.500000000e+00, v8  }
0x129: {  	v8 =	vsub.s32 $0x5F3759DF, v11  }
0x12a: {  	v11 =	vmul.f32 v8, v14;
	v7 =	vmul.f32 v6, v7  }
0x12b: {  	s8 =	simm.s32 $0x30;
	v6 =	vadd.f32 $1.000000000e+00, v10  }
0x12c: {  	v10 =	vld [tilespmem:s8+$0xA440];
	v11 =	vmul.f32 v8, v11;
	v12 =	vmul.f32 v7, v9  }
0x12d: {  	v13 =	vshrl.u32 v6, $0x1  }
0x12e: {  	v6 =	vmul.f32 $5.000000000e-01, v6;
	v11 =	vsub.f32 $1.500000000e+00, v11;
	v12 =	vmul.f32 v12, v7  }
0x12f: {  	v13 =	vsub.s32 $0x5F3759DF, v13  }
0x130: {  	v15 =	vmul.f32 v13, v6;
	v8 =	vmul.f32 v8, v11;
	v11 =	vsub.f32 $1.500000000e+00, v12  }
0x131: {  	s25 =	simm.s32 $0x40;
	v10 =	vadd.f32 $1.000000000e+00, v10  }
0x132: {  	v12 =	vld [tilespmem:s25+$0xA440];
	v15 =	vmul.f32 v13, v15;
	v11 =	vmul.f32 v11, v7  }
0x133: {  	v16 =	vmul.f32 v8, v14;
	v17 =	vshrl.u32 v10, $0x1;
	v7 =	vmul.f32 $5.000000000e-01, v10  }
0x134: {  	v15 =	vsub.f32 $1.500000000e+00, v15;
	v10 =	vsub.s32 $0x5F3759DF, v17;
	v17 =	vmul.f32 v11, v9  }
0x135: {  	v16 =	vmul.f32 v16, v8  }
0x136: {  	v9 =	vmul.f32 v13, v15;
	v15 =	vmul.f32 v17, v11  }
0x137: {  	s9 =	simm.s32 $0x50;
	v18 =	vmul.f32 v10, v7;
	v12 =	vadd.f32 $1.000000000e+00, v12  }
0x138: {  	v13 =	vsub.f32 $1.500000000e+00, v16;
	v20 =	vsub.f32 $1.500000000e+00, v15;
	v15 =	vld [tilespmem:s9+$0xA440]  }
0x139: {  	v16 =	vmul.f32 v10, v18;
	v18 =	vmul.f32 v9, v6  }
0x13a: {  	v19 =	vshrl.u32 v12, $0x1;
	v8 =	vmul.f32 v13, v8  }
0x13b: {  	v12 =	vmul.f32 $5.000000000e-01, v12;
	v17 =	vsub.f32 $1.500000000e+00, v16;
	v13 =	vmul.f32 v18, v9  }
0x13c: {  	s28 =	simm.s32 $0x180;
	s10 =	smov.u32 s26;
	v16 =	vsub.s32 $0x5F3759DF, v19;
	v14 =	vmul.f32 v8, v14;
	v11 =	vmul.f32 v20, v11  }
.LBB2_8:
0x13d: {  	v18 =	vadd.f32 $1.000000000e+00, v15;
	p2 =	slt.u32 s10, $0x2710  }
0x13e: {  	s29 =	sshra.s32 s28, $0x2;
	v19 =	vmul.f32 v16, v12;
	v17 =	vmul.f32 v10, v17;
	v20 =	vmovc v7;
	v7 =	vmovc v12;
	v11 =	vpsel !p2, $0x0, v11;
	p2 =	sne.s32 s28, $0x9C0  }
.Ltmp5:
0x13f: {  	v12 =	vsub.f32 $1.500000000e+00, v13;
	v10 =	vmov v16;
	v15 =	vld [tilespmem:s29+$0xA440];
	v13 =	vmul.f32 v14, v8;
	(pc) =	sbr.rel @p2 .LBB2_8-.Ltmp5, $4  }
0x140: {  	v14 =	vmul.f32 v10, v19;
	v16 =	vmul.f32 v17, v20;
	[tilespmem:s24+$0xA6C0] =	vst v11;
	s24 =	smov.u32 s22;
	s22 =	smov.u32 s23;
	s23 =	smov.u32 s8  }
0x141: {  	s28 =	sadd.s32 $0x40, s28;
	v11 =	vshrl.u32 v18, $0x1;
	v19 =	vmul.f32 v12, v9;
	v9 =	vmovc v17;
	s8 =	smov.u32 s25;
	v21 =	vsub.f32 $1.500000000e+00, v13  }
0x142: {  	v12 =	vmul.f32 $5.000000000e-01, v18;
	s25 =	smov.u32 s9;
	s9 =	smov.u32 s29;
	v17 =	vsub.f32 $1.500000000e+00, v14;
	v13 =	vmul.f32 v16, v9  }
0x143: {  	s10 =	sadd.s32 $0x10, s10;
	v16 =	vsub.s32 $0x5F3759DF, v11;
	v14 =	vmul.f32 v19, v6;
	v6 =	vmovc v20;
	v11 =	vmul.f32 v21, v8;
	v8 =	vmovc v19  }
0x144: {  	v15 =	vadd.f32 $1.000000000e+00, v15;
	_ =	sdelay $0x1  }
0x145: {  	v18 =	vshrl.u32 v15, $0x1;
	v15 =	vmul.f32 $5.000000000e-01, v15  }
0x146: {  	v19 =	vmul.f32 v16, v12;
	v18 =	vsub.s32 $0x5F3759DF, v18  }
0x147: {  	v20 =	vmul.f32 v18, v15  }
0x148: {  	v19 =	vmul.f32 v16, v19  }
0x149: {  	v20 =	vmul.f32 v18, v20  }
0x14a: {  	v19 =	vsub.f32 $1.500000000e+00, v19  }
0x14b: {  	v10 =	vmul.f32 v10, v17;
	v54 =	vsub.f32 $1.500000000e+00, v20  }
0x14c: {  	v55 =	vmul.f32 v16, v19  }
0x14d: {  	v56 =	vmul.f32 v10, v7;
	v17 =	vmul.f32 v18, v54  }
0x14e: {  	v57 =	vmul.f32 v55, v12  }
0x14f: {  	v19 =	vmul.f32 v56, v10;
	v58 =	vmul.f32 v17, v15  }
0x150: {  	v13 =	vsub.f32 $1.500000000e+00, v13;
	v18 =	vmul.f32 v57, v55  }
0x151: {  	v19 =	vsub.f32 $1.500000000e+00, v19;
	v20 =	vmul.f32 v58, v17  }
0x152: {  	v9 =	vmul.f32 v13, v9;
	v59 =	vsub.f32 $1.500000000e+00, v18  }
0x153: {  	v14 =	vmul.f32 v14, v8;
	v10 =	vmul.f32 v19, v10;
	v60 =	vsub.f32 $1.500000000e+00, v20  }
0x154: {  	v6 =	vmul.f32 v9, v6;
	v13 =	vmul.f32 v59, v55  }
0x155: {  	v7 =	vmul.f32 v10, v7;
	v61 =	vmul.f32 v60, v17  }
0x156: {  	v6 =	vmul.f32 v6, v9;
	v62 =	vmul.f32 v13, v12  }
0x157: {  	v14 =	vsub.f32 $1.500000000e+00, v14;
	v7 =	vmul.f32 v7, v10;
	v15 =	vmul.f32 v61, v15  }
0x158: {  	v6 =	vsub.f32 $1.500000000e+00, v6;
	v12 =	vmul.f32 v62, v13  }
0x159: {  	p2 =	slt.u32 s10, $0x2710;
	s29 =	sadd.s32 $0x10, s10;
	v8 =	vmul.f32 v14, v8;
	v7 =	vsub.f32 $1.500000000e+00, v7;
	v63 =	vmul.f32 v15, v61  }
0x15a: {  	v11 =	vpsel !p2, $0x0, v11;
	p6 =	slt.u32 s29, $0x2710;
	s10 =	sadd.s32 $0x10, s29;
	v6 =	vmul.f32 v6, v9;
	v9 =	vsub.f32 $1.500000000e+00, v12  }
0x15b: {  	[tilespmem:s24+$0xA6C0] =	vst v11;
	p3 =	slt.u32 s10, $0x2710;
	s10 =	sadd.s32 $0x10, s10;
	v8 =	vpsel !p6, $0x0, v8;
	v7 =	vmul.f32 v7, v10;
	v10 =	vsub.f32 $1.500000000e+00, v63  }
0x15c: {  	p4 =	slt.u32 s10, $0x2710;
	s10 =	sadd.s32 $0x10, s10;
	[tilespmem:s22+$0xA6C0] =	vst v8;
	v6 =	vpsel !p3, $0x0, v6;
	v8 =	vmul.f32 v9, v13  }
0x15d: {  	p5 =	slt.u32 s10, $0x2710;
	s10 =	sadd.s32 $0x10, s10;
	[tilespmem:s23+$0xA6C0] =	vst v6;
	v6 =	vpsel !p4, $0x0, v7;
	v7 =	vmul.f32 v10, v61  }
0x15e: {  	p6 =	slt.u32 s10, $0x2710;
	[tilespmem:s8+$0xA6C0] =	vst v6;
	v6 =	vpsel !p5, $0x0, v8  }
0x15f: {  	[tilespmem:s25+$0xA6C0] =	vst v6;
	v6 =	vpsel !p6, $0x0, v7  }
0x160: {  	s28 =	simm.s32 $0xA6C0;
	[tilespmem:s9+$0xA6C0] =	vst v6  }
0x161: {  	[spmem:s2] =	stream.linear.scatter [tilespmem:s28], [sflag:$0x4], $0x280, $0x38;
	[tilespmem:$0x1F2A8] =	vst v63  }
0x162: {  	_ =	swait.ge [sflag:s12], $0x280  }
0x163: {  	[sflag:s12] =	ssyncset.done $0x0  }
0x164: {  	[sflag:s12] =	ssyncadd.s32 $0xFFFFFD80  }
0x165: {  	_ =	swait.ge [sflag:s19], $0x800  }
0x166: {  	[sflag:s19] =	ssyncset.done $0x0  }
0x167: {  	[sflag:s19] =	ssyncadd.s32 $0xFFFFF800  }
0x168: {  	_ =	swait.ge [sflag:s19], $0x800  }
0x169: {  	[sflag:s19] =	ssyncset.done $0x0  }
0x16a: {  	[sflag:s19] =	ssyncadd.s32 $0xFFFFF800  }
0x16b: {  	_ =	swait.ge [sflag:s19], $0x800  }
0x16c: {  	[sflag:s19] =	ssyncset.done $0x0  }
0x16d: {  	[sflag:s19] =	ssyncadd.s32 $0xFFFFF800  }
0x16e: {  	_ =	swait.ge [sflag:s19], $0x800  }
0x16f: {  	[sflag:s19] =	ssyncset.done $0x0  }
0x170: {  	[sflag:s19] =	ssyncadd.s32 $0xFFFFF800  }
0x171: {  	_ =	swait.ge [sflag:s19], $0x800  }
0x172: {  	[sflag:s19] =	ssyncset.done $0x0  }
0x173: {  	[sflag:s19] =	ssyncadd.s32 $0xFFFFF800  }
0x174: {  	_ =	swait.ge [sflag:s19], $0x800  }
0x175: {  	[sflag:s19] =	ssyncset.done $0x0  }
0x176: {  	[sflag:s19] =	ssyncadd.s32 $0xFFFFF800  }
0x177: {  	_ =	swait.ge [sflag:s19], $0x800  }
0x178: {  	[sflag:s19] =	ssyncset.done $0x0  }
0x179: {  	[sflag:s19] =	ssyncadd.s32 $0xFFFFF800  }
0x17a: {  	_ =	swait.ge [sflag:s19], $0x800  }
0x17b: {  	[sflag:s19] =	ssyncset.done $0x0  }
0x17c: {  	[sflag:s19] =	ssyncadd.s32 $0xFFFFF800  }
0x17d: {  	_ =	swait.ge [sflag:s19], $0x800  }
0x17e: {  	[sflag:s19] =	ssyncset.done $0x0  }
0x17f: {  	[sflag:s19] =	ssyncadd.s32 $0xFFFFF800  }
0x180: {  	_ =	swait.ge [sflag:s19], $0x800  }
0x181: {  	[sflag:s19] =	ssyncset.done $0x0  }
0x182: {  	[sflag:s19] =	ssyncadd.s32 $0xFFFFF800  }
0x183: {  	_ =	swait.ge [sflag:s19], $0x800  }
0x184: {  	[sflag:s19] =	ssyncset.done $0x0  }
0x185: {  	[sflag:s19] =	ssyncadd.s32 $0xFFFFF800  }
0x186: {  	_ =	swait.ge [sflag:s19], $0x800  }
0x187: {  	[sflag:s19] =	ssyncset.done $0x0  }
0x188: {  	[sflag:s19] =	ssyncadd.s32 $0xFFFFF800  }
0x189: {  	_ =	swait.ge [sflag:s19], $0x800  }
0x18a: {  	[sflag:s19] =	ssyncset.done $0x0  }
0x18b: {  	[sflag:s19] =	ssyncadd.s32 $0xFFFFF800  }
0x18c: {  	_ =	swait.ge [sflag:s19], $0x800  }
0x18d: {  	[sflag:s19] =	ssyncset.done $0x0  }
0x18e: {  	[sflag:s19] =	ssyncadd.s32 $0xFFFFF800  }
0x18f: {  	_ =	swait.ge [sflag:s19], $0x800  }
0x190: {  	[sflag:s19] =	ssyncset.done $0x0  }
0x191: {  	[sflag:s19] =	ssyncadd.s32 $0xFFFFF800  }
0x192: {  	_ =	swait.ge [sflag:s19], $0x800  }
0x193: {  	[sflag:s19] =	ssyncset.done $0x0  }
0x194: {  	[sflag:s19] =	ssyncadd.s32 $0xFFFFF800  }
0x195: {  	_ =	swait.ge [sflag:s19], $0x800  }
0x196: {  	[sflag:s19] =	ssyncset.done $0x0  }
0x197: {  	[sflag:s19] =	ssyncadd.s32 $0xFFFFF800  }
0x198: {  	_ =	swait.ge [sflag:s19], $0x800  }
0x199: {  	[sflag:s19] =	ssyncset.done $0x0  }
0x19a: {  	[sflag:s19] =	ssyncadd.s32 $0xFFFFF800  }
0x19b: {  	_ =	swait.ge [sflag:s19], $0x800  }
0x19c: {  	[sflag:s19] =	ssyncset.done $0x0  }
0x19d: {  	[sflag:s19] =	ssyncadd.s32 $0xFFFFF800  }
0x19e: {  	_ =	swait.ge [sflag:s19], $0x440  }
0x19f: {  	[sflag:s19] =	ssyncset.done $0x0  }
0x1a0: {  	[sflag:s19] =	ssyncadd.s32 $0xFFFFFBC0  }
0x1a1: {  	[bflag:$0x0] =	sbarrier.arrive $0xFFFF  }
0x1a2: {  	s29 =	rddreg [dreg:$0x5]  }
0x1a3: {  	[tilespmem:s20], [sflag:$0x4] =	stream.linear.gather [spmem:s29], $0x2800, $0x38;
	[tilespmem:$0x1F2A8] =	vst v63  }
0x1a4: {  	_ =	swait.ge [sflag:s12], $0x2800  }
0x1a5: {  	[sflag:s12] =	ssyncset.done $0x0  }
0x1a6: {  	s8 =	simm.s32 $0x0;
	[sflag:s12] =	ssyncadd.s32 $0xFFFFD800  }
0x1a7: {  	v6 =	vld [tilespmem:s8+$0x5620]  }
0x1a8: {  	v7 =	vld [tilespmem:s8+$0x7D30];
	_ =	sdelay $0x5  }
0x1a9: {  	v8 =	vld [tilespmem:s8+$0x7D40]  }
0x1aa: {  	v6 =	vld.idx.msk [tilespmem:v6+s20+$0x0], $0xffff  }
0x1ab: {  	v7 =	vld.idx.msk [tilespmem:v7+s20+$0x0], $0xffff  }
0x1ac: {  	v9 =	vld [tilespmem:s8+$0x5630];
	_ =	sdelay $0x3  }
0x1ad: {  	v6 =	vmul.f32 v6, v7;
	_ =	sdelay $0x1  }
0x1ae: {  	[tilespmem:s8+$0x12050] =	vst v6;
	v6 =	vld [tilespmem:s8+$0x7D50]  }
0x1af: {  	v7 =	vld.idx.msk [tilespmem:v8+s20+$0x0], $0xffff  }
0x1b0: {  	v8 =	vld.idx.msk [tilespmem:v9+s20+$0x0], $0xffff  }
0x1b1: {  	v9 =	vld [tilespmem:s8+$0x5640];
	_ =	sdelay $0x3  }
0x1b2: {  	v7 =	vmul.f32 v8, v7;
	_ =	sdelay $0x1  }
0x1b3: {  	v8 =	vld [tilespmem:s8+$0x7D60];
	[tilespmem:s8+$0x12060] =	vst v7  }
0x1b4: {  	v6 =	vld.idx.msk [tilespmem:v6+s20+$0x0], $0xffff  }
0x1b5: {  	v7 =	vld.idx.msk [tilespmem:v9+s20+$0x0], $0xffff  }
0x1b6: {  	v9 =	vld [tilespmem:s8+$0x5650];
	_ =	sdelay $0x3  }
0x1b7: {  	v6 =	vmul.f32 v7, v6;
	_ =	sdelay $0x1  }
0x1b8: {  	[tilespmem:s8+$0x12070] =	vst v6;
	v6 =	vld [tilespmem:s8+$0x7D70]  }
0x1b9: {  	v7 =	vld.idx.msk [tilespmem:v8+s20+$0x0], $0xffff  }
0x1ba: {  	v8 =	vld.idx.msk [tilespmem:v9+s20+$0x0], $0xffff  }
0x1bb: {  	v9 =	vld [tilespmem:s8+$0x5660];
	_ =	sdelay $0x3  }
0x1bc: {  	v7 =	vmul.f32 v8, v7;
	_ =	sdelay $0x1  }
0x1bd: {  	[tilespmem:s8+$0x12080] =	vst v7  }
0x1be: {  	v8 =	vld.idx.msk [tilespmem:v6+s20+$0x0], $0xffff  }
0x1bf: {  	s22 =	simm.s32 $0x50;
	v9 =	vld.idx.msk [tilespmem:v9+s20+$0x0], $0xffff  }
0x1c0: {  	v6 =	vld [tilespmem:s22+$0x5620]  }
0x1c1: {  	s9 =	simm.s32 $0x280;
	v7 =	vld [tilespmem:s22+$0x7D30]  }
.LBB2_10:
0x1c2: {  	p2 =	sne.s32 s9, $0x9B00;
	s10 =	smov.u32 s9;
	s9 =	sadd.s32 $0x140, s9  }
0x1c3: {  	_ =	sdelay $0x1  }
0x1c4: {  	v8 =	vmul.f32 v9, v8;
	_ =	sdelay $0x1  }
0x1c5: {  	v9 =	vld [tilespmem:s22+$0x7D40];
	[tilespmem:s8+$0x12090] =	vst v8;
	s8 =	smov.u32 s22  }
0x1c6: {  	v6 =	vld.idx.msk [tilespmem:v6+s20+$0x0], $0xffff  }
0x1c7: {  	v7 =	vld.idx.msk [tilespmem:v7+s20+$0x0], $0xffff  }
0x1c8: {  	v8 =	vld [tilespmem:s8+$0x5630];
	_ =	sdelay $0x4  }
0x1c9: {  	v6 =	vmul.f32 v6, v7;
	_ =	sdelay $0x1  }
0x1ca: {  	[tilespmem:s8+$0x12050] =	vst v6;
	v6 =	vld [tilespmem:s8+$0x7D50]  }
0x1cb: {  	v7 =	vld.idx.msk [tilespmem:v9+s20+$0x0], $0xffff  }
0x1cc: {  	v8 =	vld.idx.msk [tilespmem:v8+s20+$0x0], $0xffff  }
0x1cd: {  	v9 =	vld [tilespmem:s8+$0x5640];
	_ =	sdelay $0x4  }
0x1ce: {  	v7 =	vmul.f32 v8, v7;
	_ =	sdelay $0x1  }
0x1cf: {  	[tilespmem:s8+$0x12060] =	vst v7;
	v7 =	vld [tilespmem:s8+$0x7D60]  }
0x1d0: {  	v6 =	vld.idx.msk [tilespmem:v6+s20+$0x0], $0xffff  }
0x1d1: {  	v8 =	vld.idx.msk [tilespmem:v9+s20+$0x0], $0xffff  }
0x1d2: {  	v9 =	vld [tilespmem:s8+$0x5650];
	_ =	sdelay $0x4  }
0x1d3: {  	v6 =	vmul.f32 v8, v6;
	_ =	sdelay $0x1  }
0x1d4: {  	[tilespmem:s8+$0x12070] =	vst v6;
	v6 =	vld [tilespmem:s8+$0x7D70]  }
0x1d5: {  	v7 =	vld.idx.msk [tilespmem:v7+s20+$0x0], $0xffff  }
0x1d6: {  	v8 =	vld.idx.msk [tilespmem:v9+s20+$0x0], $0xffff  }
0x1d7: {  	v9 =	vld [tilespmem:s8+$0x5660];
	_ =	sdelay $0x4  }
0x1d8: {  	v7 =	vmul.f32 v8, v7;
	_ =	sdelay $0x1  }
.Ltmp6:
0x1d9: {  	[tilespmem:s8+$0x12080] =	vst v7;
	(pc) =	sbr.rel @p2 .LBB2_10-.Ltmp6, $4  }
0x1da: {  	v8 =	vld.idx.msk [tilespmem:v6+s20+$0x0], $0xffff  }
0x1db: {  	s22 =	sshra.s32 s10, $0x2;
	v9 =	vld.idx.msk [tilespmem:v9+s20+$0x0], $0xffff  }
0x1dc: {  	v6 =	vld [tilespmem:s22+$0x5620]  }
0x1dd: {  	v7 =	vld [tilespmem:s22+$0x7D30]  }
0x1de: {  	_ =	sdelay $0x3  }
0x1df: {  	v8 =	vmul.f32 v9, v8;
	_ =	sdelay $0x1  }
0x1e0: {  	v58 =	vld [tilespmem:s22+$0x7D40];
	[tilespmem:s8+$0x12090] =	vst v8  }
0x1e1: {  	v6 =	vld.idx.msk [tilespmem:v6+s20+$0x0], $0xffff  }
0x1e2: {  	v7 =	vld.idx.msk [tilespmem:v7+s20+$0x0], $0xffff  }
0x1e3: {  	v8 =	vld [tilespmem:s22+$0x5630];
	_ =	sdelay $0x3  }
0x1e4: {  	v6 =	vmul.f32 v6, v7;
	_ =	sdelay $0x1  }
0x1e5: {  	[tilespmem:s22+$0x12050] =	vst v6;
	v6 =	vld [tilespmem:s22+$0x7D50]  }
0x1e6: {  	v7 =	vld.idx.msk [tilespmem:v58+s20+$0x0], $0xffff  }
0x1e7: {  	v8 =	vld.idx.msk [tilespmem:v8+s20+$0x0], $0xffff  }
0x1e8: {  	v59 =	vld [tilespmem:s22+$0x5640];
	_ =	sdelay $0x3  }
0x1e9: {  	v7 =	vmul.f32 v8, v7;
	_ =	sdelay $0x1  }
0x1ea: {  	v60 =	vld [tilespmem:s22+$0x7D60];
	[tilespmem:s22+$0x12060] =	vst v7  }
0x1eb: {  	v6 =	vld.idx.msk [tilespmem:v6+s20+$0x0], $0xffff  }
0x1ec: {  	v7 =	vld.idx.msk [tilespmem:v59+s20+$0x0], $0xffff  }
0x1ed: {  	v61 =	vld [tilespmem:s22+$0x5650];
	_ =	sdelay $0x3  }
0x1ee: {  	v6 =	vmul.f32 v7, v6;
	_ =	sdelay $0x1  }
0x1ef: {  	[tilespmem:s22+$0x12070] =	vst v6;
	v6 =	vld [tilespmem:s22+$0x7D70]  }
0x1f0: {  	v7 =	vld.idx.msk [tilespmem:v60+s20+$0x0], $0xffff  }
0x1f1: {  	v62 =	vld.idx.msk [tilespmem:v61+s20+$0x0], $0xffff  }
0x1f2: {  	v63 =	vld [tilespmem:s22+$0x5660];
	_ =	sdelay $0x3  }
0x1f3: {  	v7 =	vmul.f32 v62, v7;
	_ =	sdelay $0x1  }
0x1f4: {  	[tilespmem:s22+$0x12080] =	vst v7  }
0x1f5: {  	v6 =	vld.idx.msk [tilespmem:v6+s20+$0x0], $0xffff  }
0x1f6: {  	v7 =	vld.idx.msk [tilespmem:v63+s20+$0x0], $0xffff;
	_ =	sdelay $0x3  }
.Ltmp7:
0x1f7: {  	_ = 	snop;
	(pc) =	sbr.rel @p1 .LBB2_15-.Ltmp7, $3  }
0x1f8: {  	v6 =	vmul.f32 v7, v6;
	_ =	sdelay $0x1  }
0x1f9: {  	s29 =	rddreg [dreg:$0x4];
	s9 =	simm.s32 $0xF940;
	s10 =	simm.s32 $0x12050;
	[tilespmem:s22+$0x12090] =	vst v6  }
0x1fa: {  	[spmem:s29] =	stream.indirect.scatter.add.f32 [tilespmem:s10], [sflag:$0x1], $0x1, s9, s16, $0xb8;
	[tilespmem:$0x1F2A8] =	vst v63  }
0x1fb: {  	s8 =	simm.s32 $0x0  }
0x1fc: {  	v6 =	vld [tilespmem:s8+$0xA6C0];
	_ =	sdelay $0x4  }
0x1fd: {  	v7 =	vmov s26;
	v6 =	vmul.f32 v6, v6  }
0x1fe: {  	s10 =	simm.s32 $0x40;
	s9 =	smov.u32 s26;
	vm0 =	vlt.u32 v7, $0x2710  }
.LBB2_13:
0x1ff: {  	p2 =	sne.s32 s10, $0x9C0;
	v7 =	vor.u32 s9, v5;
	v8 =	vld.idx.msk [tilespmem:v0+s8+$0x0 ss:$0x1], $0xffff;
	[tilespmem:s8+$0x149E0] =	vst v6;
	v6 =	vsel vm0, $0x3F800000, v1  }
0x200: {  	s22 =	sshra.s32 s10, $0x2;
	vm1 =	vlt.u32 v7, $0x1388;
	[tilespmem:s8+$0x14EE0] =	vst v6  }
0x201: {  	v6 =	vld [tilespmem:s22+$0xA6C0];
	v9 =	vsel vm1, $0x0, v3  }
0x202: {  	v7 =	vadd.s32 v7, v9  }
.Ltmp8:
0x203: {  	v9 =	vsel vm1, $0x0, v4;
	v7 =	vshll.u32 v7, $0x7;
	(pc) =	sbr.rel @p2 .LBB2_13-.Ltmp8, $4  }
0x204: {  	v7 =	vor.u32 v9, v7  }
0x205: {  	s9 =	sadd.s32 $0x10, s9;
	v7 =	vadd.s32 v8, v7;
	[tilespmem:s8+$0x14C60] =	vst v8  }
0x206: {  	v8 =	vmov s9;
	v6 =	vmul.f32 v6, v6;
	v7 =	vnsel vm0, $0x0, v7  }
0x207: {  	s10 =	sadd.s32 $0x40, s10;
	vm0 =	vlt.u32 v8, $0x2710;
	[tilespmem:s8+$0x14760] =	vst v7;
	s8 =	smov.u32 s22  }
.Ltmp9:
0x208: {  	_ = 	snop;
	(pc) =	sbr.rel .LBB2_14-.Ltmp9, $1  }
0x209: {  	_ =	sdelay $0x3  }
.LBB2_16:
0x20a: {  	_ =	sfence.sel $0x180000  }
0x20b: {  	[bflag:$0x0] =	sbarrier.arrive $0xFFFF  }
0x20c: {  	_ =	strace $0x90000047  }
0x20d: {  	s0 =	stileid.u32;
	[bflag:$0x2] =	sbarrier.arrive $0xFFFF  }
0x20e: {  	p0 =	sne.s32 s0, $0x0;
	s0 =	rddreg [dreg:$0x6]  }
0x20f: {  	s0 =	sadd.s32 @!p0 $0x100000, s0  }
0x210: {  	[sflag:s0] =	ssyncadd.tile.s32 @!p0 $0x1;
	_ =	shalt  }
.Lfunc_end2:
_tile_overlayer_lowered:
.L_overlay_start_2:
0x211: {  	(tag) =	ssettag $0x2  }
0x212: {  	s0 =	rddreg [dreg:$0x0];
	s2 =	stileid.u32  }
0x213: {  	s1 =	rddreg [dreg:$0x1];
	p0 =	sne.s32 s2, $0x0  }
0x214: {  	s3 =	rddreg [dreg:$0x2];
	[bflag:$0x3] =	sbarrier.arrive $0xFFFF;
	s2 =	simm.s32 @!p0 $0x1C04  }
0x215: {  	[timem:s3], [sflag:s2] =	dma.local @!p0 [hbm:s0], s1  }
0x216: {  	s0 =	simm.s32 @!p0 $0x4  }
0x217: {  	_ =	swait.ge @!p0 [sflag:s0], s1  }
0x218: {  	s1 =	ssub.s32 @!p0 $0x0, s1;
	[sflag:s0] =	ssyncset.done @!p0 $0x0  }
0x219: {  	[sflag:s0] =	ssyncadd.s32 @!p0 s1  }
0x21a: {  	[bflag:$0x3] =	sbarrier.arrive $0xFFFF  }
0x21b: {  	_ =	shalt  }

</sc_bundles>
